<compile_context>
chip_gen: v7x
topology: tpu7x:2x2x1
jax: 0.10.2.dev20260603
libtpu: 0.0.44.dev20260713+nightly
codegen_flags: <defaults>
</compile_context>

<pallas_src>
import jax
import jax.numpy as jnp
from jax import lax
from jax.experimental import pallas as pl
from jax.experimental.pallas import tpu as pltpu
from jax.experimental.pallas import tpu_sc as plsc

N = 10000
E = 320000
D = 128
DA = 144
NC = 2
NS = 16
CH = 128
EPT = 10240
NCHUNK = EPT // CH
NCH0 = 120
NCH1 = 2 * NCHUNK - NCH0
NPAD = 10240
ROWS_PT = NPAD // NS
BLK = 400
GRID = N // BLK



def _make_sc_agg(width, tc_tiling=False):
  mesh = plsc.VectorSubcoreMesh(core_axis_name="c", subcore_axis_name="s")
  out_type = [jax.ShapeDtypeStruct((NC * NPAD, width), jnp.float32)]
  scratch = [
      pltpu.VMEM((CH,), jnp.int32),
      pltpu.VMEM((CH,), jnp.int32),
      pltpu.VMEM((CH,), jnp.int32),
      pltpu.VMEM((CH,), jnp.int32),
      pltpu.VMEM((CH, width), jnp.float32),
      pltpu.VMEM((CH, width), jnp.float32),
      pltpu.VMEM_SHARED((NPAD, width), jnp.float32),
      pltpu.SemaphoreType.DMA,
      pltpu.SemaphoreType.DMA,
      pltpu.SemaphoreType.DMA,
      pltpu.SemaphoreType.DMA,
  ]

  def body(table_hbm, src_hbm, dst_hbm, agg_out, src_v0, dst_v0, src_v1,
           dst_v1, rows_v0, rows_v1, agg_sh, g0, g1, s0, s1):
    cid = lax.axis_index("c")
    sid = lax.axis_index("s")
    nch = jnp.where(cid == 0, NCH0, NCH1)
    e0 = jnp.where(cid == 0, sid * NCH0, NS * NCH0 + sid * NCH1) * CH

    def idx_load(c, sv, dv):
      pltpu.sync_copy(src_hbm.at[pl.ds(e0 + c * CH, CH)], sv)
      pltpu.sync_copy(dst_hbm.at[pl.ds(e0 + c * CH, CH)], dv)

    def gstart(sv, rv, sem):
      pltpu.async_copy(table_hbm.at[sv], rv, sem)

    def gwait(sv, rv, sem):
      pltpu.make_async_copy(table_hbm.at[sv], rv, sem).wait()

    def sstart(rv, dv, sem):
      pltpu.async_copy(rv, agg_sh.at[dv], sem, add=True)

    def swait(rv, dv, sem):
      pltpu.make_async_copy(rv, agg_sh.at[dv], sem).wait()

    def zrow(r, carry):
      for j in range(width // 16):
        rows_v0[r, pl.ds(j * 16, 16)] = jnp.zeros((16,), jnp.float32)
      return carry
    lax.fori_loop(0, CH, zrow, 0)

    base = sid * ROWS_PT
    for k in range(ROWS_PT // CH):
      pltpu.sync_copy(rows_v0, agg_sh.at[pl.ds(base + k * CH, CH)])
    plsc.subcore_barrier()

    @pl.when(nch > 0)
    def _():
      idx_load(0, src_v0, dst_v0)
      gstart(src_v0, rows_v0, g0)

    def pair(p, carry):
      c0 = 2 * p

      @pl.when(p > 0)
      def _():
        swait(rows_v1, dst_v1, s1)
      idx_load(c0 + 1, src_v1, dst_v1)
      gstart(src_v1, rows_v1, g1)

      gwait(src_v0, rows_v0, g0)
      sstart(rows_v0, dst_v0, s0)

      @pl.when(c0 + 2 < nch)
      def _():
        swait(rows_v0, dst_v0, s0)
        idx_load(c0 + 2, src_v0, dst_v0)
        gstart(src_v0, rows_v0, g0)

      gwait(src_v1, rows_v1, g1)
      sstart(rows_v1, dst_v1, s1)
      return carry
    lax.fori_loop(0, nch // 2, pair, 0)

    @pl.when(nch > 0)
    def _():
      swait(rows_v0, dst_v0, s0)
      swait(rows_v1, dst_v1, s1)
    plsc.subcore_barrier()

    pltpu.sync_copy(agg_sh.at[pl.ds(base, ROWS_PT)],
                    agg_out.at[pl.ds(cid * NPAD + base, ROWS_PT)])

  return pl.kernel(body, out_type=out_type, mesh=mesh, scratch_types=scratch,
                   compiler_params=pltpu.CompilerParams(
                       use_tc_tiling_on_sc=tc_tiling))


_sc_agg_aug = _make_sc_agg(DA)
_sc_agg = _make_sc_agg(D, tc_tiling=True)



_DN = (((1,), (1,)), ((), ()))


def _tc1_body(x_ref, wl_ref, wr_ref, b_ref, a_ref, r_ref):
  xb = x_ref[...]
  al = lax.dot_general(xb, wl_ref[...], _DN, preferred_element_type=jnp.float32)
  a_ref[...] = jnp.concatenate(
      [al, jnp.ones((BLK, 1), jnp.float32),
       jnp.zeros((BLK, DA - D - 1), jnp.float32)], axis=1)
  r_ref[...] = lax.dot_general(xb, wr_ref[...], _DN,
                               preferred_element_type=jnp.float32) + b_ref[...]


def _tc2_body(aggp_ref, r1_ref, wl_ref, wr_ref, b_ref, a2_ref, r2_ref):
  agg = aggp_ref[0, :, 0:D] + aggp_ref[1, :, 0:D]
  cnt = aggp_ref[0, :, D:D + 1] + aggp_ref[1, :, D:D + 1]
  h = jnp.maximum(agg / jnp.maximum(cnt, 1.0) + r1_ref[...], 0.0)
  a2_ref[...] = lax.dot_general(h, wl_ref[...], _DN,
                                preferred_element_type=jnp.float32)
  r2_ref[...] = lax.dot_general(h, wr_ref[...], _DN,
                                preferred_element_type=jnp.float32) + b_ref[...]


def _tc3_body(aggp2_ref, aggp1_ref, r2_ref, o_ref):
  agg = aggp2_ref[0] + aggp2_ref[1]
  cnt = aggp1_ref[0, :, D:D + 1] + aggp1_ref[1, :, D:D + 1]
  o_ref[...] = agg / jnp.maximum(cnt, 1.0) + r2_ref[...]


_row_spec = pl.BlockSpec((BLK, D), lambda i: (i, 0))
_arow_spec = pl.BlockSpec((BLK, DA), lambda i: (i, 0))
_w_spec = pl.BlockSpec((D, D), lambda i: (0, 0))
_b_spec = pl.BlockSpec((1, D), lambda i: (0, 0))
_aggp_spec = pl.BlockSpec((NC, BLK, D), lambda i: (0, i, 0))
_aggpa_spec = pl.BlockSpec((NC, BLK, DA), lambda i: (0, i, 0))
_row_out = jax.ShapeDtypeStruct((N, D), jnp.float32)
_arow_out = jax.ShapeDtypeStruct((N, DA), jnp.float32)

_tc1 = pl.pallas_call(
    _tc1_body, grid=(GRID,),
    in_specs=[_row_spec, _w_spec, _w_spec, _b_spec],
    out_specs=[_arow_spec, _row_spec],
    out_shape=[_arow_out, _row_out])

_tc2 = pl.pallas_call(
    _tc2_body, grid=(GRID,),
    in_specs=[_aggpa_spec, _row_spec, _w_spec, _w_spec, _b_spec],
    out_specs=[_row_spec, _row_spec],
    out_shape=[_row_out, _row_out])

_tc3 = pl.pallas_call(
    _tc3_body, grid=(GRID,),
    in_specs=[_aggp_spec, _aggpa_spec, _row_spec],
    out_specs=_row_spec,
    out_shape=_row_out)


@jax.jit
def kernel(x, edge_index, W1l, W1r, b1, W2l, W2r, b2):
  epad = NC * NS * EPT
  src = jnp.concatenate([edge_index[0], jnp.zeros((epad - E,), jnp.int32)])
  dst = jnp.concatenate([edge_index[1], jnp.full((epad - E,), N, jnp.int32)])
  b1r = b1.reshape(1, D)
  b2r = b2.reshape(1, D)

  a1, r1 = _tc1(x, W1l, W1r, b1r)
  (aggp1,) = _sc_agg_aug(a1, src, dst)
  aggp1 = aggp1.reshape(NC, NPAD, DA)
  a2, r2 = _tc2(aggp1, r1, W2l, W2r, b2r)
  (aggp2,) = _sc_agg(a2, src, dst)
  aggp2 = aggp2.reshape(NC, NPAD, D)
  return _tc3(aggp2, aggp1, r2)

# --- scband reference (transcript-rebuilt; emitter-appended) ---
"""Pipeline reference for scband-graph-embedder-40587440947286 (READ-ONLY COPY).

The authoritative reference and input builder live on the scoring server;
editing this copy changes nothing except your own understanding.
"""

import jax, jax.numpy as jnp
import numpy as np

N = 10000
E = 320000
D_IN = 128
D_HID = 128
D_OUT = 128


def setup_inputs(seed: int = 0) -> dict:
    key = jax.random.key(seed)
    ks = jax.random.split(key, 10)
    x = jax.random.normal(ks[0], (N, D_IN), dtype=jnp.float32)
    edge_index = jax.random.randint(ks[1], (2, E), 0, N, dtype=jnp.int32)
    s1 = 1.0 / np.sqrt(D_IN)
    s2 = 1.0 / np.sqrt(D_HID)
    W1l = jax.random.uniform(ks[2], (D_HID, D_IN), jnp.float32, -s1, s1)
    W1r = jax.random.uniform(ks[3], (D_HID, D_IN), jnp.float32, -s1, s1)
    b1 = jax.random.uniform(ks[4], (D_HID,), jnp.float32, -s1, s1)
    W2l = jax.random.uniform(ks[5], (D_OUT, D_HID), jnp.float32, -s2, s2)
    W2r = jax.random.uniform(ks[6], (D_OUT, D_HID), jnp.float32, -s2, s2)
    b2 = jax.random.uniform(ks[7], (D_OUT,), jnp.float32, -s2, s2)
    return {"x": x, "edge_index": edge_index, "W1l": W1l, "W1r": W1r, "b1": b1, "W2l": W2l, "W2r": W2r, "b2": b2}


def _sage_conv(x, edge_index, Wl, Wr, b):
    # PyG SAGEConv with mean aggregation and root weight:
    #   out = lin_l(mean_{j in N(i)} x_j) + lin_r(x_i) + bias
    src = edge_index[0]
    dst = edge_index[1]
    msgs = jnp.take(x, src, axis=0)  # gather source node features
    n = x.shape[0]
    agg = jax.ops.segment_sum(msgs, dst, num_segments=n)
    cnt = jax.ops.segment_sum(jnp.ones((msgs.shape[0], 1), x.dtype), dst, num_segments=n)
    mean = agg / jnp.maximum(cnt, 1.0)
    return mean @ Wl.T + x @ Wr.T + b


def reference(x, edge_index, W1l, W1r, b1, W2l, W2r, b2):
    h = _sage_conv(x, edge_index, W1l, W1r, b1)
    h = jax.nn.relu(h)
    out = _sage_conv(h, edge_index, W2l, W2r, b2)
    return out

if __name__ == "__main__":
    import jax
    _d = setup_inputs()
    print(jax.jit(kernel)(*tuple(_d.values())))

</pallas_src>

<mosaic_0001>
#map = affine_map<(d0, d1) -> (0, 0)>
#map1 = affine_map<(d0, d1) -> (0)>
module attributes {stable_mosaic.version = 14 : i64} {
  func.func @body(%arg0: i32, %arg1: i32, %arg2: memref<10000x144xf32, #tpu.memory_space<hbm>>, %arg3: memref<327680xi32, #tpu.memory_space<hbm>>, %arg4: memref<327680xi32, #tpu.memory_space<hbm>>, %arg5: memref<20480x144xf32, #tpu.memory_space<hbm>>, %arg6: memref<128xi32, #tpu.memory_space<vmem>>, %arg7: memref<128xi32, #tpu.memory_space<vmem>>, %arg8: memref<128xi32, #tpu.memory_space<vmem>>, %arg9: memref<128xi32, #tpu.memory_space<vmem>>, %arg10: memref<128x144xf32, #tpu.memory_space<vmem>>, %arg11: memref<128x144xf32, #tpu.memory_space<vmem>>, %arg12: memref<10240x144xf32, #tpu.memory_space<vmem_shared>>, %arg13: memref<!tpu.dma_semaphore, #tpu.memory_space<semaphore_mem>>, %arg14: memref<!tpu.dma_semaphore, #tpu.memory_space<semaphore_mem>>, %arg15: memref<!tpu.dma_semaphore, #tpu.memory_space<semaphore_mem>>, %arg16: memref<!tpu.dma_semaphore, #tpu.memory_space<semaphore_mem>>) attributes {dimension_semantics = [#tpu.dimension_semantics<core_parallel>, #tpu.dimension_semantics<subcore_parallel>], iteration_bounds = array<i64: 2, 16>, scalar_prefetch = 0 : i64, scratch_operands = 11 : i64, tpu.core_type = #tpu.core_type<sc_vector_subcore>, window_params = [{transform_indices = #map}, {transform_indices = #map1}, {transform_indices = #map1}, {transform_indices = #map}]} {
    %eq3A = arith.constant 0 : i32
    %eq3A_0 = arith.cmpi eq, %arg0, %eq3A : i32
    %jit3A = arith.constant 120 : i32
    %jit3A_1 = arith.constant 40 : i32
    %select_n3A = arith.select %eq3A_0, %jit3A, %jit3A_1 : i32
    %eq3A_2 = arith.constant 0 : i32
    %eq3A_3 = arith.cmpi eq, %arg0, %eq3A_2 : i32
    %mul3A = arith.constant 120 : i32
    %mul3A_4 = arith.muli %arg1, %mul3A : i32
    %mul3A_5 = arith.constant 40 : i32
    %mul3A_6 = arith.muli %arg1, %mul3A_5 : i32
    %add3A = arith.constant 1920 : i32
    %add3A_7 = arith.addi %add3A, %mul3A_6 : i32
    %select_n3A_8 = arith.select %eq3A_3, %mul3A_4, %add3A_7 : i32
    %mul3A_9 = arith.constant 128 : i32
    %mul3A_10 = arith.muli %select_n3A_8, %mul3A_9 : i32
    %scan3A = arith.constant 0 : i32
    %scan3A_11 = arith.constant 0 : i32
    %scan3A_12 = arith.constant 128 : i32
    %scan3A_13 = arith.addi %scan3A_11, %scan3A_12 : i32
    %scan3A_14 = arith.constant 1 : i32
    scf.for %scan3A_66 = %scan3A_11 to %scan3A_13 step %scan3A_14  : i32 {
      %broadcast_in_dim3A = arith.constant 0.000000e+00 : f32
      %broadcast_in_dim3A_67 = vector.broadcast %broadcast_in_dim3A : f32 to vector<16xf32>
      %swap3A = arith.index_cast %scan3A_66 : i32 to index
      %swap3A_68 = arith.constant 0 : index
      %swap3A_69 = tpu.vector_load %arg10[%swap3A, %swap3A_68] {strides = array<i32>} : memref<128x144xf32, #tpu.memory_space<vmem>>, vector<1x16xf32>,
      %swap3A_70 = vector.shape_cast %swap3A_69 : vector<1x16xf32> to vector<16xf32>
      %swap3A_71 = vector.shape_cast %broadcast_in_dim3A_67 : vector<16xf32> to vector<1x16xf32>
      tpu.vector_store %arg10[%swap3A, %swap3A_68], %swap3A_71 {strides = array<i32>} : memref<128x144xf32, #tpu.memory_space<vmem>>, vector<1x16xf32>,
      %broadcast_in_dim3A_72 = arith.constant 0.000000e+00 : f32
      %broadcast_in_dim3A_73 = vector.broadcast %broadcast_in_dim3A_72 : f32 to vector<16xf32>
      %swap3A_74 = arith.index_cast %scan3A_66 : i32 to index
      %swap3A_75 = arith.constant 16 : index
      %swap3A_76 = tpu.vector_load %arg10[%swap3A_74, %swap3A_75] {strides = array<i32>} : memref<128x144xf32, #tpu.memory_space<vmem>>, vector<1x16xf32>,
      %swap3A_77 = vector.shape_cast %swap3A_76 : vector<1x16xf32> to vector<16xf32>
      %swap3A_78 = vector.shape_cast %broadcast_in_dim3A_73 : vector<16xf32> to vector<1x16xf32>
      tpu.vector_store %arg10[%swap3A_74, %swap3A_75], %swap3A_78 {strides = array<i32>} : memref<128x144xf32, #tpu.memory_space<vmem>>, vector<1x16xf32>,
      %broadcast_in_dim3A_79 = arith.constant 0.000000e+00 : f32
      %broadcast_in_dim3A_80 = vector.broadcast %broadcast_in_dim3A_79 : f32 to vector<16xf32>
      %swap3A_81 = arith.index_cast %scan3A_66 : i32 to index
      %swap3A_82 = arith.constant 32 : index
      %swap3A_83 = tpu.vector_load %arg10[%swap3A_81, %swap3A_82] {strides = array<i32>} : memref<128x144xf32, #tpu.memory_space<vmem>>, vector<1x16xf32>,
      %swap3A_84 = vector.shape_cast %swap3A_83 : vector<1x16xf32> to vector<16xf32>
      %swap3A_85 = vector.shape_cast %broadcast_in_dim3A_80 : vector<16xf32> to vector<1x16xf32>
      tpu.vector_store %arg10[%swap3A_81, %swap3A_82], %swap3A_85 {strides = array<i32>} : memref<128x144xf32, #tpu.memory_space<vmem>>, vector<1x16xf32>,
      %broadcast_in_dim3A_86 = arith.constant 0.000000e+00 : f32
      %broadcast_in_dim3A_87 = vector.broadcast %broadcast_in_dim3A_86 : f32 to vector<16xf32>
      %swap3A_88 = arith.index_cast %scan3A_66 : i32 to index
      %swap3A_89 = arith.constant 48 : index
      %swap3A_90 = tpu.vector_load %arg10[%swap3A_88, %swap3A_89] {strides = array<i32>} : memref<128x144xf32, #tpu.memory_space<vmem>>, vector<1x16xf32>,
      %swap3A_91 = vector.shape_cast %swap3A_90 : vector<1x16xf32> to vector<16xf32>
      %swap3A_92 = vector.shape_cast %broadcast_in_dim3A_87 : vector<16xf32> to vector<1x16xf32>
      tpu.vector_store %arg10[%swap3A_88, %swap3A_89], %swap3A_92 {strides = array<i32>} : memref<128x144xf32, #tpu.memory_space<vmem>>, vector<1x16xf32>,
      %broadcast_in_dim3A_93 = arith.constant 0.000000e+00 : f32
      %broadcast_in_dim3A_94 = vector.broadcast %broadcast_in_dim3A_93 : f32 to vector<16xf32>
      %swap3A_95 = arith.index_cast %scan3A_66 : i32 to index
      %swap3A_96 = arith.constant 64 : index
      %swap3A_97 = tpu.vector_load %arg10[%swap3A_95, %swap3A_96] {strides = array<i32>} : memref<128x144xf32, #tpu.memory_space<vmem>>, vector<1x16xf32>,
      %swap3A_98 = vector.shape_cast %swap3A_97 : vector<1x16xf32> to vector<16xf32>
      %swap3A_99 = vector.shape_cast %broadcast_in_dim3A_94 : vector<16xf32> to vector<1x16xf32>
      tpu.vector_store %arg10[%swap3A_95, %swap3A_96], %swap3A_99 {strides = array<i32>} : memref<128x144xf32, #tpu.memory_space<vmem>>, vector<1x16xf32>,
      %broadcast_in_dim3A_100 = arith.constant 0.000000e+00 : f32
      %broadcast_in_dim3A_101 = vector.broadcast %broadcast_in_dim3A_100 : f32 to vector<16xf32>
      %swap3A_102 = arith.index_cast %scan3A_66 : i32 to index
      %swap3A_103 = arith.constant 80 : index
      %swap3A_104 = tpu.vector_load %arg10[%swap3A_102, %swap3A_103] {strides = array<i32>} : memref<128x144xf32, #tpu.memory_space<vmem>>, vector<1x16xf32>,
      %swap3A_105 = vector.shape_cast %swap3A_104 : vector<1x16xf32> to vector<16xf32>
      %swap3A_106 = vector.shape_cast %broadcast_in_dim3A_101 : vector<16xf32> to vector<1x16xf32>
      tpu.vector_store %arg10[%swap3A_102, %swap3A_103], %swap3A_106 {strides = array<i32>} : memref<128x144xf32, #tpu.memory_space<vmem>>, vector<1x16xf32>,
      %broadcast_in_dim3A_107 = arith.constant 0.000000e+00 : f32
      %broadcast_in_dim3A_108 = vector.broadcast %broadcast_in_dim3A_107 : f32 to vector<16xf32>
      %swap3A_109 = arith.index_cast %scan3A_66 : i32 to index
      %swap3A_110 = arith.constant 96 : index
      %swap3A_111 = tpu.vector_load %arg10[%swap3A_109, %swap3A_110] {strides = array<i32>} : memref<128x144xf32, #tpu.memory_space<vmem>>, vector<1x16xf32>,
      %swap3A_112 = vector.shape_cast %swap3A_111 : vector<1x16xf32> to vector<16xf32>
      %swap3A_113 = vector.shape_cast %broadcast_in_dim3A_108 : vector<16xf32> to vector<1x16xf32>
      tpu.vector_store %arg10[%swap3A_109, %swap3A_110], %swap3A_113 {strides = array<i32>} : memref<128x144xf32, #tpu.memory_space<vmem>>, vector<1x16xf32>,
      %broadcast_in_dim3A_114 = arith.constant 0.000000e+00 : f32
      %broadcast_in_dim3A_115 = vector.broadcast %broadcast_in_dim3A_114 : f32 to vector<16xf32>
      %swap3A_116 = arith.index_cast %scan3A_66 : i32 to index
      %swap3A_117 = arith.constant 112 : index
      %swap3A_118 = tpu.vector_load %arg10[%swap3A_116, %swap3A_117] {strides = array<i32>} : memref<128x144xf32, #tpu.memory_space<vmem>>, vector<1x16xf32>,
      %swap3A_119 = vector.shape_cast %swap3A_118 : vector<1x16xf32> to vector<16xf32>
      %swap3A_120 = vector.shape_cast %broadcast_in_dim3A_115 : vector<16xf32> to vector<1x16xf32>
      tpu.vector_store %arg10[%swap3A_116, %swap3A_117], %swap3A_120 {strides = array<i32>} : memref<128x144xf32, #tpu.memory_space<vmem>>, vector<1x16xf32>,
      %broadcast_in_dim3A_121 = arith.constant 0.000000e+00 : f32
      %broadcast_in_dim3A_122 = vector.broadcast %broadcast_in_dim3A_121 : f32 to vector<16xf32>
      %swap3A_123 = arith.index_cast %scan3A_66 : i32 to index
      %swap3A_124 = arith.constant 128 : index
      %swap3A_125 = tpu.vector_load %arg10[%swap3A_123, %swap3A_124] {strides = array<i32>} : memref<128x144xf32, #tpu.memory_space<vmem>>, vector<1x16xf32>,
      %swap3A_126 = vector.shape_cast %swap3A_125 : vector<1x16xf32> to vector<16xf32>
      %swap3A_127 = vector.shape_cast %broadcast_in_dim3A_122 : vector<16xf32> to vector<1x16xf32>
      tpu.vector_store %arg10[%swap3A_123, %swap3A_124], %swap3A_127 {strides = array<i32>} : memref<128x144xf32, #tpu.memory_space<vmem>>, vector<1x16xf32>,
    }
    %scan3A_15 = arith.constant 128 : i32
    %mul3A_16 = arith.constant 640 : i32
    %mul3A_17 = arith.muli %arg1, %mul3A_16 : i32
    %add3A_18 = arith.constant 0 : i32
    %add3A_19 = arith.addi %mul3A_17, %add3A_18 : i32
    "tpu.region"() ({
      %run_scoped3A = tpu.sem_alloc : memref<!tpu.dma_semaphore, #tpu.memory_space<semaphore_mem>>
      %dma_start3A = arith.constant 0 : i32
      %dma_start3A_66 = tpu.memref_slice %arg12[%add3A_19, %dma_start3A] : memref<10240x144xf32, #tpu.memory_space<vmem_shared>> -> memref<128x144xf32, #tpu.memory_space<vmem_shared>>
      %dma_start3A_67 = arith.constant 0 : i32
      %dma_start3A_68 = tpu.memref_slice %arg12[%add3A_19, %dma_start3A_67] : memref<10240x144xf32, #tpu.memory_space<vmem_shared>> -> memref<128x144xf32, #tpu.memory_space<vmem_shared>>
      tpu.enqueue_dma source(%arg10 : memref<128x144xf32, #tpu.memory_space<vmem>>) target(%dma_start3A_68 : memref<128x144xf32, #tpu.memory_space<vmem_shared>>) target_semaphore(%run_scoped3A : memref<!tpu.dma_semaphore, #tpu.memory_space<semaphore_mem>>)
      %dma_wait3A = arith.constant 0 : i32
      %dma_wait3A_69 = tpu.memref_slice %arg12[%add3A_19, %dma_wait3A] : memref<10240x144xf32, #tpu.memory_space<vmem_shared>> -> memref<128x144xf32, #tpu.memory_space<vmem_shared>>
      %dma_wait3A_70 = arith.constant 0 : i32
      %dma_wait3A_71 = tpu.memref_slice %arg12[%add3A_19, %dma_wait3A_70] : memref<10240x144xf32, #tpu.memory_space<vmem_shared>> -> memref<128x144xf32, #tpu.memory_space<vmem_shared>>
      tpu.wait_dma2 semaphore(%run_scoped3A : memref<!tpu.dma_semaphore, #tpu.memory_space<semaphore_mem>>) src(%arg10 : memref<128x144xf32, #tpu.memory_space<vmem>>) dst(%dma_wait3A_71 : memref<128x144xf32, #tpu.memory_space<vmem_shared>>)
      tpu.yield
    }) : () -> ()
    %add3A_20 = arith.constant 128 : i32
    %add3A_21 = arith.addi %mul3A_17, %add3A_20 : i32
    "tpu.region"() ({
      %run_scoped3A = tpu.sem_alloc : memref<!tpu.dma_semaphore, #tpu.memory_space<semaphore_mem>>
      %dma_start3A = arith.constant 0 : i32
      %dma_start3A_66 = tpu.memref_slice %arg12[%add3A_21, %dma_start3A] : memref<10240x144xf32, #tpu.memory_space<vmem_shared>> -> memref<128x144xf32, #tpu.memory_space<vmem_shared>>
      %dma_start3A_67 = arith.constant 0 : i32
      %dma_start3A_68 = tpu.memref_slice %arg12[%add3A_21, %dma_start3A_67] : memref<10240x144xf32, #tpu.memory_space<vmem_shared>> -> memref<128x144xf32, #tpu.memory_space<vmem_shared>>
      tpu.enqueue_dma source(%arg10 : memref<128x144xf32, #tpu.memory_space<vmem>>) target(%dma_start3A_68 : memref<128x144xf32, #tpu.memory_space<vmem_shared>>) target_semaphore(%run_scoped3A : memref<!tpu.dma_semaphore, #tpu.memory_space<semaphore_mem>>)
      %dma_wait3A = arith.constant 0 : i32
      %dma_wait3A_69 = tpu.memref_slice %arg12[%add3A_21, %dma_wait3A] : memref<10240x144xf32, #tpu.memory_space<vmem_shared>> -> memref<128x144xf32, #tpu.memory_space<vmem_shared>>
      %dma_wait3A_70 = arith.constant 0 : i32
      %dma_wait3A_71 = tpu.memref_slice %arg12[%add3A_21, %dma_wait3A_70] : memref<10240x144xf32, #tpu.memory_space<vmem_shared>> -> memref<128x144xf32, #tpu.memory_space<vmem_shared>>
      tpu.wait_dma2 semaphore(%run_scoped3A : memref<!tpu.dma_semaphore, #tpu.memory_space<semaphore_mem>>) src(%arg10 : memref<128x144xf32, #tpu.memory_space<vmem>>) dst(%dma_wait3A_71 : memref<128x144xf32, #tpu.memory_space<vmem_shared>>)
      tpu.yield
    }) : () -> ()
    %add3A_22 = arith.constant 256 : i32
    %add3A_23 = arith.addi %mul3A_17, %add3A_22 : i32
    "tpu.region"() ({
      %run_scoped3A = tpu.sem_alloc : memref<!tpu.dma_semaphore, #tpu.memory_space<semaphore_mem>>
      %dma_start3A = arith.constant 0 : i32
      %dma_start3A_66 = tpu.memref_slice %arg12[%add3A_23, %dma_start3A] : memref<10240x144xf32, #tpu.memory_space<vmem_shared>> -> memref<128x144xf32, #tpu.memory_space<vmem_shared>>
      %dma_start3A_67 = arith.constant 0 : i32
      %dma_start3A_68 = tpu.memref_slice %arg12[%add3A_23, %dma_start3A_67] : memref<10240x144xf32, #tpu.memory_space<vmem_shared>> -> memref<128x144xf32, #tpu.memory_space<vmem_shared>>
      tpu.enqueue_dma source(%arg10 : memref<128x144xf32, #tpu.memory_space<vmem>>) target(%dma_start3A_68 : memref<128x144xf32, #tpu.memory_space<vmem_shared>>) target_semaphore(%run_scoped3A : memref<!tpu.dma_semaphore, #tpu.memory_space<semaphore_mem>>)
      %dma_wait3A = arith.constant 0 : i32
      %dma_wait3A_69 = tpu.memref_slice %arg12[%add3A_23, %dma_wait3A] : memref<10240x144xf32, #tpu.memory_space<vmem_shared>> -> memref<128x144xf32, #tpu.memory_space<vmem_shared>>
      %dma_wait3A_70 = arith.constant 0 : i32
      %dma_wait3A_71 = tpu.memref_slice %arg12[%add3A_23, %dma_wait3A_70] : memref<10240x144xf32, #tpu.memory_space<vmem_shared>> -> memref<128x144xf32, #tpu.memory_space<vmem_shared>>
      tpu.wait_dma2 semaphore(%run_scoped3A : memref<!tpu.dma_semaphore, #tpu.memory_space<semaphore_mem>>) src(%arg10 : memref<128x144xf32, #tpu.memory_space<vmem>>) dst(%dma_wait3A_71 : memref<128x144xf32, #tpu.memory_space<vmem_shared>>)
      tpu.yield
    }) : () -> ()
    %add3A_24 = arith.constant 384 : i32
    %add3A_25 = arith.addi %mul3A_17, %add3A_24 : i32
    "tpu.region"() ({
      %run_scoped3A = tpu.sem_alloc : memref<!tpu.dma_semaphore, #tpu.memory_space<semaphore_mem>>
      %dma_start3A = arith.constant 0 : i32
      %dma_start3A_66 = tpu.memref_slice %arg12[%add3A_25, %dma_start3A] : memref<10240x144xf32, #tpu.memory_space<vmem_shared>> -> memref<128x144xf32, #tpu.memory_space<vmem_shared>>
      %dma_start3A_67 = arith.constant 0 : i32
      %dma_start3A_68 = tpu.memref_slice %arg12[%add3A_25, %dma_start3A_67] : memref<10240x144xf32, #tpu.memory_space<vmem_shared>> -> memref<128x144xf32, #tpu.memory_space<vmem_shared>>
      tpu.enqueue_dma source(%arg10 : memref<128x144xf32, #tpu.memory_space<vmem>>) target(%dma_start3A_68 : memref<128x144xf32, #tpu.memory_space<vmem_shared>>) target_semaphore(%run_scoped3A : memref<!tpu.dma_semaphore, #tpu.memory_space<semaphore_mem>>)
      %dma_wait3A = arith.constant 0 : i32
      %dma_wait3A_69 = tpu.memref_slice %arg12[%add3A_25, %dma_wait3A] : memref<10240x144xf32, #tpu.memory_space<vmem_shared>> -> memref<128x144xf32, #tpu.memory_space<vmem_shared>>
      %dma_wait3A_70 = arith.constant 0 : i32
      %dma_wait3A_71 = tpu.memref_slice %arg12[%add3A_25, %dma_wait3A_70] : memref<10240x144xf32, #tpu.memory_space<vmem_shared>> -> memref<128x144xf32, #tpu.memory_space<vmem_shared>>
      tpu.wait_dma2 semaphore(%run_scoped3A : memref<!tpu.dma_semaphore, #tpu.memory_space<semaphore_mem>>) src(%arg10 : memref<128x144xf32, #tpu.memory_space<vmem>>) dst(%dma_wait3A_71 : memref<128x144xf32, #tpu.memory_space<vmem_shared>>)
      tpu.yield
    }) : () -> ()
    %add3A_26 = arith.constant 512 : i32
    %add3A_27 = arith.addi %mul3A_17, %add3A_26 : i32
    "tpu.region"() ({
      %run_scoped3A = tpu.sem_alloc : memref<!tpu.dma_semaphore, #tpu.memory_space<semaphore_mem>>
      %dma_start3A = arith.constant 0 : i32
      %dma_start3A_66 = tpu.memref_slice %arg12[%add3A_27, %dma_start3A] : memref<10240x144xf32, #tpu.memory_space<vmem_shared>> -> memref<128x144xf32, #tpu.memory_space<vmem_shared>>
      %dma_start3A_67 = arith.constant 0 : i32
      %dma_start3A_68 = tpu.memref_slice %arg12[%add3A_27, %dma_start3A_67] : memref<10240x144xf32, #tpu.memory_space<vmem_shared>> -> memref<128x144xf32, #tpu.memory_space<vmem_shared>>
      tpu.enqueue_dma source(%arg10 : memref<128x144xf32, #tpu.memory_space<vmem>>) target(%dma_start3A_68 : memref<128x144xf32, #tpu.memory_space<vmem_shared>>) target_semaphore(%run_scoped3A : memref<!tpu.dma_semaphore, #tpu.memory_space<semaphore_mem>>)
      %dma_wait3A = arith.constant 0 : i32
      %dma_wait3A_69 = tpu.memref_slice %arg12[%add3A_27, %dma_wait3A] : memref<10240x144xf32, #tpu.memory_space<vmem_shared>> -> memref<128x144xf32, #tpu.memory_space<vmem_shared>>
      %dma_wait3A_70 = arith.constant 0 : i32
      %dma_wait3A_71 = tpu.memref_slice %arg12[%add3A_27, %dma_wait3A_70] : memref<10240x144xf32, #tpu.memory_space<vmem_shared>> -> memref<128x144xf32, #tpu.memory_space<vmem_shared>>
      tpu.wait_dma2 semaphore(%run_scoped3A : memref<!tpu.dma_semaphore, #tpu.memory_space<semaphore_mem>>) src(%arg10 : memref<128x144xf32, #tpu.memory_space<vmem>>) dst(%dma_wait3A_71 : memref<128x144xf32, #tpu.memory_space<vmem_shared>>)
      tpu.yield
    }) : () -> ()
    %barrier3A = arith.constant 0 : index
    tpu.barrier barrier_id(%barrier3A)
    %gt3A = arith.constant 0 : i32
    %gt3A_28 = arith.cmpi sgt, %select_n3A, %gt3A : i32
    %convert_element_type3A = arith.extui %gt3A_28 : i1 to i32
    %cond3A = arith.constant 0 : i32
    %cond3A_29 = arith.cmpi ne, %convert_element_type3A, %cond3A : i32
    scf.if %cond3A_29 {
      %add3A_66 = arith.constant 0 : i32
      %add3A_67 = arith.addi %mul3A_10, %add3A_66 : i32
      "tpu.region"() ({
        %run_scoped3A = tpu.sem_alloc : memref<!tpu.dma_semaphore, #tpu.memory_space<semaphore_mem>>
        %dma_start3A_72 = tpu.memref_slice %arg3[%add3A_67] : memref<327680xi32, #tpu.memory_space<hbm>> -> memref<128xi32, #tpu.memory_space<hbm>>
        %dma_start3A_73 = tpu.memref_slice %arg3[%add3A_67] : memref<327680xi32, #tpu.memory_space<hbm>> -> memref<128xi32, #tpu.memory_space<hbm>>
        tpu.enqueue_dma source(%dma_start3A_73 : memref<128xi32, #tpu.memory_space<hbm>>) target(%arg6 : memref<128xi32, #tpu.memory_space<vmem>>) target_semaphore(%run_scoped3A : memref<!tpu.dma_semaphore, #tpu.memory_space<semaphore_mem>>)
        %dma_wait3A = tpu.memref_slice %arg3[%add3A_67] : memref<327680xi32, #tpu.memory_space<hbm>> -> memref<128xi32, #tpu.memory_space<hbm>>
        %dma_wait3A_74 = tpu.memref_slice %arg3[%add3A_67] : memref<327680xi32, #tpu.memory_space<hbm>> -> memref<128xi32, #tpu.memory_space<hbm>>
        tpu.wait_dma2 semaphore(%run_scoped3A : memref<!tpu.dma_semaphore, #tpu.memory_space<semaphore_mem>>) src(%dma_wait3A_74 : memref<128xi32, #tpu.memory_space<hbm>>) dst(%arg6 : memref<128xi32, #tpu.memory_space<vmem>>)
        tpu.yield
      }) : () -> ()
      %add3A_68 = arith.constant 0 : i32
      %add3A_69 = arith.addi %mul3A_10, %add3A_68 : i32
      "tpu.region"() ({
        %run_scoped3A = tpu.sem_alloc : memref<!tpu.dma_semaphore, #tpu.memory_space<semaphore_mem>>
        %dma_start3A_72 = tpu.memref_slice %arg4[%add3A_69] : memref<327680xi32, #tpu.memory_space<hbm>> -> memref<128xi32, #tpu.memory_space<hbm>>
        %dma_start3A_73 = tpu.memref_slice %arg4[%add3A_69] : memref<327680xi32, #tpu.memory_space<hbm>> -> memref<128xi32, #tpu.memory_space<hbm>>
        tpu.enqueue_dma source(%dma_start3A_73 : memref<128xi32, #tpu.memory_space<hbm>>) target(%arg7 : memref<128xi32, #tpu.memory_space<vmem>>) target_semaphore(%run_scoped3A : memref<!tpu.dma_semaphore, #tpu.memory_space<semaphore_mem>>)
        %dma_wait3A = tpu.memref_slice %arg4[%add3A_69] : memref<327680xi32, #tpu.memory_space<hbm>> -> memref<128xi32, #tpu.memory_space<hbm>>
        %dma_wait3A_74 = tpu.memref_slice %arg4[%add3A_69] : memref<327680xi32, #tpu.memory_space<hbm>> -> memref<128xi32, #tpu.memory_space<hbm>>
        tpu.wait_dma2 semaphore(%run_scoped3A : memref<!tpu.dma_semaphore, #tpu.memory_space<semaphore_mem>>) src(%dma_wait3A_74 : memref<128xi32, #tpu.memory_space<hbm>>) dst(%arg7 : memref<128xi32, #tpu.memory_space<vmem>>)
        tpu.yield
      }) : () -> ()
      %dma_start3A = arith.constant 0 : i32
      %dma_start3A_70 = arith.constant 0 : i32
      %dma_start3A_71 = tpu.memref_slice %arg2[%dma_start3A, %dma_start3A_70] : memref<10000x144xf32, #tpu.memory_space<hbm>> -> memref<10000x144xf32, #tpu.memory_space<hbm>>
      tpu.enqueue_indirect_dma source(%dma_start3A_71 : memref<10000x144xf32, #tpu.memory_space<hbm>>) target(%arg10 : memref<128x144xf32, #tpu.memory_space<vmem>>) offsets(%arg6 : memref<128xi32, #tpu.memory_space<vmem>>) semaphore(%arg13 : memref<!tpu.dma_semaphore, #tpu.memory_space<semaphore_mem>>)
    } else {
    }
    %jit3A_30 = arith.constant 2 : i32
    %div3A = arith.divsi %select_n3A, %jit3A_30 : i32
    %sign3A = arith.constant 0 : i32
    %sign3A_31 = arith.cmpi sgt, %select_n3A, %sign3A : i32
    %sign3A_32 = arith.extui %sign3A_31 : i1 to i32
    %sign3A_33 = arith.constant 0 : i32
    %sign3A_34 = arith.cmpi slt, %select_n3A, %sign3A_33 : i32
    %sign3A_35 = arith.extui %sign3A_34 : i1 to i32
    %sign3A_36 = arith.subi %sign3A_32, %sign3A_35 : i32
    %sign3A_37 = arith.constant 0 : i32
    %sign3A_38 = arith.cmpi sgt, %jit3A_30, %sign3A_37 : i32
    %sign3A_39 = arith.extui %sign3A_38 : i1 to i32
    %sign3A_40 = arith.constant 0 : i32
    %sign3A_41 = arith.cmpi slt, %jit3A_30, %sign3A_40 : i32
    %sign3A_42 = arith.extui %sign3A_41 : i1 to i32
    %sign3A_43 = arith.subi %sign3A_39, %sign3A_42 : i32
    %ne3A = arith.cmpi ne, %sign3A_36, %sign3A_43 : i32
    %rem3A = arith.remsi %select_n3A, %jit3A_30 : i32
    %ne3A_44 = arith.constant 0 : i32
    %ne3A_45 = arith.cmpi ne, %rem3A, %ne3A_44 : i32
    %and3A = arith.andi %ne3A, %ne3A_45 : i1
    %sub3A = arith.constant 1 : i32
    %sub3A_46 = arith.subi %div3A, %sub3A : i32
    %select_n3A_47 = arith.select %and3A, %sub3A_46, %div3A : i32
    %while3A = arith.constant 0 : i32
    %while3A_48 = arith.constant 0 : i32
    %while3A_49 = arith.subi %select_n3A_47, %while3A_48 : i32
    %while3A_50 = arith.addi %while3A_48, %while3A_49 : i32
    %while3A_51 = arith.constant 1 : i32
    %while3A_52 = arith.divsi %while3A_49, %while3A_51 : i32
    %while3A_53 = arith.muli %while3A_52, %while3A_51 : i32
    %while3A_54 = arith.addi %while3A_48, %while3A_53 : i32
    %while3A_55 = arith.constant 1 : i32
    scf.for %while3A_66 = %while3A_48 to %while3A_54 step %while3A_55  : i32 {
      %mul3A_67 = arith.constant 2 : i32
      %mul3A_68 = arith.muli %mul3A_67, %while3A_66 : i32
      %gt3A_69 = arith.constant 0 : i32
      %gt3A_70 = arith.cmpi sgt, %while3A_66, %gt3A_69 : i32
      %convert_element_type3A_71 = arith.extui %gt3A_70 : i1 to i32
      %cond3A_72 = arith.constant 0 : i32
      %cond3A_73 = arith.cmpi ne, %convert_element_type3A_71, %cond3A_72 : i32
      scf.if %cond3A_73 {
        %dma_wait3A_100 = arith.constant 0 : i32
        %dma_wait3A_101 = arith.constant 0 : i32
        %dma_wait3A_102 = tpu.memref_slice %arg12[%dma_wait3A_100, %dma_wait3A_101] : memref<10240x144xf32, #tpu.memory_space<vmem_shared>> -> memref<10240x144xf32, #tpu.memory_space<vmem_shared>>
        tpu.wait_indirect_dma semaphore(%arg16 : memref<!tpu.dma_semaphore, #tpu.memory_space<semaphore_mem>>) src(%arg11 : memref<128x144xf32, #tpu.memory_space<vmem>>) dst(%dma_wait3A_102 : memref<10240x144xf32, #tpu.memory_space<vmem_shared>>)
      } else {
      }
      %add3A_74 = arith.constant 1 : i32
      %add3A_75 = arith.addi %mul3A_68, %add3A_74 : i32
      %mul3A_76 = arith.constant 128 : i32
      %mul3A_77 = arith.muli %add3A_75, %mul3A_76 : i32
      %add3A_78 = arith.addi %mul3A_10, %mul3A_77 : i32
      "tpu.region"() ({
        %run_scoped3A = tpu.sem_alloc : memref<!tpu.dma_semaphore, #tpu.memory_space<semaphore_mem>>
        %dma_start3A_100 = tpu.memref_slice %arg3[%add3A_78] : memref<327680xi32, #tpu.memory_space<hbm>> -> memref<128xi32, #tpu.memory_space<hbm>>
        %dma_start3A_101 = tpu.memref_slice %arg3[%add3A_78] : memref<327680xi32, #tpu.memory_space<hbm>> -> memref<128xi32, #tpu.memory_space<hbm>>
        tpu.enqueue_dma source(%dma_start3A_101 : memref<128xi32, #tpu.memory_space<hbm>>) target(%arg8 : memref<128xi32, #tpu.memory_space<vmem>>) target_semaphore(%run_scoped3A : memref<!tpu.dma_semaphore, #tpu.memory_space<semaphore_mem>>)
        %dma_wait3A_102 = tpu.memref_slice %arg3[%add3A_78] : memref<327680xi32, #tpu.memory_space<hbm>> -> memref<128xi32, #tpu.memory_space<hbm>>
        %dma_wait3A_103 = tpu.memref_slice %arg3[%add3A_78] : memref<327680xi32, #tpu.memory_space<hbm>> -> memref<128xi32, #tpu.memory_space<hbm>>
        tpu.wait_dma2 semaphore(%run_scoped3A : memref<!tpu.dma_semaphore, #tpu.memory_space<semaphore_mem>>) src(%dma_wait3A_103 : memref<128xi32, #tpu.memory_space<hbm>>) dst(%arg8 : memref<128xi32, #tpu.memory_space<vmem>>)
        tpu.yield
      }) : () -> ()
      %mul3A_79 = arith.constant 128 : i32
      %mul3A_80 = arith.muli %add3A_75, %mul3A_79 : i32
      %add3A_81 = arith.addi %mul3A_10, %mul3A_80 : i32
      "tpu.region"() ({
        %run_scoped3A = tpu.sem_alloc : memref<!tpu.dma_semaphore, #tpu.memory_space<semaphore_mem>>
        %dma_start3A_100 = tpu.memref_slice %arg4[%add3A_81] : memref<327680xi32, #tpu.memory_space<hbm>> -> memref<128xi32, #tpu.memory_space<hbm>>
        %dma_start3A_101 = tpu.memref_slice %arg4[%add3A_81] : memref<327680xi32, #tpu.memory_space<hbm>> -> memref<128xi32, #tpu.memory_space<hbm>>
        tpu.enqueue_dma source(%dma_start3A_101 : memref<128xi32, #tpu.memory_space<hbm>>) target(%arg9 : memref<128xi32, #tpu.memory_space<vmem>>) target_semaphore(%run_scoped3A : memref<!tpu.dma_semaphore, #tpu.memory_space<semaphore_mem>>)
        %dma_wait3A_102 = tpu.memref_slice %arg4[%add3A_81] : memref<327680xi32, #tpu.memory_space<hbm>> -> memref<128xi32, #tpu.memory_space<hbm>>
        %dma_wait3A_103 = tpu.memref_slice %arg4[%add3A_81] : memref<327680xi32, #tpu.memory_space<hbm>> -> memref<128xi32, #tpu.memory_space<hbm>>
        tpu.wait_dma2 semaphore(%run_scoped3A : memref<!tpu.dma_semaphore, #tpu.memory_space<semaphore_mem>>) src(%dma_wait3A_103 : memref<128xi32, #tpu.memory_space<hbm>>) dst(%arg9 : memref<128xi32, #tpu.memory_space<vmem>>)
        tpu.yield
      }) : () -> ()
      %dma_start3A = arith.constant 0 : i32
      %dma_start3A_82 = arith.constant 0 : i32
      %dma_start3A_83 = tpu.memref_slice %arg2[%dma_start3A, %dma_start3A_82] : memref<10000x144xf32, #tpu.memory_space<hbm>> -> memref<10000x144xf32, #tpu.memory_space<hbm>>
      tpu.enqueue_indirect_dma source(%dma_start3A_83 : memref<10000x144xf32, #tpu.memory_space<hbm>>) target(%arg11 : memref<128x144xf32, #tpu.memory_space<vmem>>) offsets(%arg8 : memref<128xi32, #tpu.memory_space<vmem>>) semaphore(%arg14 : memref<!tpu.dma_semaphore, #tpu.memory_space<semaphore_mem>>)
      %dma_wait3A = arith.constant 0 : i32
      %dma_wait3A_84 = arith.constant 0 : i32
      %dma_wait3A_85 = tpu.memref_slice %arg2[%dma_wait3A, %dma_wait3A_84] : memref<10000x144xf32, #tpu.memory_space<hbm>> -> memref<10000x144xf32, #tpu.memory_space<hbm>>
      tpu.wait_indirect_dma semaphore(%arg13 : memref<!tpu.dma_semaphore, #tpu.memory_space<semaphore_mem>>) src(%dma_wait3A_85 : memref<10000x144xf32, #tpu.memory_space<hbm>>) dst(%arg10 : memref<128x144xf32, #tpu.memory_space<vmem>>)
      %dma_start3A_86 = arith.constant 0 : i32
      %dma_start3A_87 = arith.constant 0 : i32
      %dma_start3A_88 = tpu.memref_slice %arg12[%dma_start3A_86, %dma_start3A_87] : memref<10240x144xf32, #tpu.memory_space<vmem_shared>> -> memref<10240x144xf32, #tpu.memory_space<vmem_shared>>
      tpu.enqueue_indirect_dma source(%arg10 : memref<128x144xf32, #tpu.memory_space<vmem>>) target(%dma_start3A_88 : memref<10240x144xf32, #tpu.memory_space<vmem_shared>>) offsets(%arg7 : memref<128xi32, #tpu.memory_space<vmem>>) semaphore(%arg15 : memref<!tpu.dma_semaphore, #tpu.memory_space<semaphore_mem>>) {add = true}
      %add3A_89 = arith.constant 2 : i32
      %add3A_90 = arith.addi %mul3A_68, %add3A_89 : i32
      %lt3A = arith.cmpi slt, %add3A_90, %select_n3A : i32
      %convert_element_type3A_91 = arith.extui %lt3A : i1 to i32
      %cond3A_92 = arith.constant 0 : i32
      %cond3A_93 = arith.cmpi ne, %convert_element_type3A_91, %cond3A_92 : i32
      scf.if %cond3A_93 {
        %dma_wait3A_100 = arith.constant 0 : i32
        %dma_wait3A_101 = arith.constant 0 : i32
        %dma_wait3A_102 = tpu.memref_slice %arg12[%dma_wait3A_100, %dma_wait3A_101] : memref<10240x144xf32, #tpu.memory_space<vmem_shared>> -> memref<10240x144xf32, #tpu.memory_space<vmem_shared>>
        tpu.wait_indirect_dma semaphore(%arg15 : memref<!tpu.dma_semaphore, #tpu.memory_space<semaphore_mem>>) src(%arg10 : memref<128x144xf32, #tpu.memory_space<vmem>>) dst(%dma_wait3A_102 : memref<10240x144xf32, #tpu.memory_space<vmem_shared>>)
        %add3A_103 = arith.constant 2 : i32
        %add3A_104 = arith.addi %mul3A_68, %add3A_103 : i32
        %mul3A_105 = arith.constant 128 : i32
        %mul3A_106 = arith.muli %add3A_104, %mul3A_105 : i32
        %add3A_107 = arith.addi %mul3A_10, %mul3A_106 : i32
        "tpu.region"() ({
          %run_scoped3A = tpu.sem_alloc : memref<!tpu.dma_semaphore, #tpu.memory_space<semaphore_mem>>
          %dma_start3A_114 = tpu.memref_slice %arg3[%add3A_107] : memref<327680xi32, #tpu.memory_space<hbm>> -> memref<128xi32, #tpu.memory_space<hbm>>
          %dma_start3A_115 = tpu.memref_slice %arg3[%add3A_107] : memref<327680xi32, #tpu.memory_space<hbm>> -> memref<128xi32, #tpu.memory_space<hbm>>
          tpu.enqueue_dma source(%dma_start3A_115 : memref<128xi32, #tpu.memory_space<hbm>>) target(%arg6 : memref<128xi32, #tpu.memory_space<vmem>>) target_semaphore(%run_scoped3A : memref<!tpu.dma_semaphore, #tpu.memory_space<semaphore_mem>>)
          %dma_wait3A_116 = tpu.memref_slice %arg3[%add3A_107] : memref<327680xi32, #tpu.memory_space<hbm>> -> memref<128xi32, #tpu.memory_space<hbm>>
          %dma_wait3A_117 = tpu.memref_slice %arg3[%add3A_107] : memref<327680xi32, #tpu.memory_space<hbm>> -> memref<128xi32, #tpu.memory_space<hbm>>
          tpu.wait_dma2 semaphore(%run_scoped3A : memref<!tpu.dma_semaphore, #tpu.memory_space<semaphore_mem>>) src(%dma_wait3A_117 : memref<128xi32, #tpu.memory_space<hbm>>) dst(%arg6 : memref<128xi32, #tpu.memory_space<vmem>>)
          tpu.yield
        }) : () -> ()
        %mul3A_108 = arith.constant 128 : i32
        %mul3A_109 = arith.muli %add3A_104, %mul3A_108 : i32
        %add3A_110 = arith.addi %mul3A_10, %mul3A_109 : i32
        "tpu.region"() ({
          %run_scoped3A = tpu.sem_alloc : memref<!tpu.dma_semaphore, #tpu.memory_space<semaphore_mem>>
          %dma_start3A_114 = tpu.memref_slice %arg4[%add3A_110] : memref<327680xi32, #tpu.memory_space<hbm>> -> memref<128xi32, #tpu.memory_space<hbm>>
          %dma_start3A_115 = tpu.memref_slice %arg4[%add3A_110] : memref<327680xi32, #tpu.memory_space<hbm>> -> memref<128xi32, #tpu.memory_space<hbm>>
          tpu.enqueue_dma source(%dma_start3A_115 : memref<128xi32, #tpu.memory_space<hbm>>) target(%arg7 : memref<128xi32, #tpu.memory_space<vmem>>) target_semaphore(%run_scoped3A : memref<!tpu.dma_semaphore, #tpu.memory_space<semaphore_mem>>)
          %dma_wait3A_116 = tpu.memref_slice %arg4[%add3A_110] : memref<327680xi32, #tpu.memory_space<hbm>> -> memref<128xi32, #tpu.memory_space<hbm>>
          %dma_wait3A_117 = tpu.memref_slice %arg4[%add3A_110] : memref<327680xi32, #tpu.memory_space<hbm>> -> memref<128xi32, #tpu.memory_space<hbm>>
          tpu.wait_dma2 semaphore(%run_scoped3A : memref<!tpu.dma_semaphore, #tpu.memory_space<semaphore_mem>>) src(%dma_wait3A_117 : memref<128xi32, #tpu.memory_space<hbm>>) dst(%arg7 : memref<128xi32, #tpu.memory_space<vmem>>)
          tpu.yield
        }) : () -> ()
        %dma_start3A_111 = arith.constant 0 : i32
        %dma_start3A_112 = arith.constant 0 : i32
        %dma_start3A_113 = tpu.memref_slice %arg2[%dma_start3A_111, %dma_start3A_112] : memref<10000x144xf32, #tpu.memory_space<hbm>> -> memref<10000x144xf32, #tpu.memory_space<hbm>>
        tpu.enqueue_indirect_dma source(%dma_start3A_113 : memref<10000x144xf32, #tpu.memory_space<hbm>>) target(%arg10 : memref<128x144xf32, #tpu.memory_space<vmem>>) offsets(%arg6 : memref<128xi32, #tpu.memory_space<vmem>>) semaphore(%arg13 : memref<!tpu.dma_semaphore, #tpu.memory_space<semaphore_mem>>)
      } else {
      }
      %dma_wait3A_94 = arith.constant 0 : i32
      %dma_wait3A_95 = arith.constant 0 : i32
      %dma_wait3A_96 = tpu.memref_slice %arg2[%dma_wait3A_94, %dma_wait3A_95] : memref<10000x144xf32, #tpu.memory_space<hbm>> -> memref<10000x144xf32, #tpu.memory_space<hbm>>
      tpu.wait_indirect_dma semaphore(%arg14 : memref<!tpu.dma_semaphore, #tpu.memory_space<semaphore_mem>>) src(%dma_wait3A_96 : memref<10000x144xf32, #tpu.memory_space<hbm>>) dst(%arg11 : memref<128x144xf32, #tpu.memory_space<vmem>>)
      %dma_start3A_97 = arith.constant 0 : i32
      %dma_start3A_98 = arith.constant 0 : i32
      %dma_start3A_99 = tpu.memref_slice %arg12[%dma_start3A_97, %dma_start3A_98] : memref<10240x144xf32, #tpu.memory_space<vmem_shared>> -> memref<10240x144xf32, #tpu.memory_space<vmem_shared>>
      tpu.enqueue_indirect_dma source(%arg11 : memref<128x144xf32, #tpu.memory_space<vmem>>) target(%dma_start3A_99 : memref<10240x144xf32, #tpu.memory_space<vmem_shared>>) offsets(%arg9 : memref<128xi32, #tpu.memory_space<vmem>>) semaphore(%arg16 : memref<!tpu.dma_semaphore, #tpu.memory_space<semaphore_mem>>) {add = true}
    }
    %while3A_56 = arith.constant 1 : i32
    scf.for %while3A_66 = %while3A_54 to %while3A_50 step %while3A_56  : i32 {
      %mul3A_67 = arith.constant 2 : i32
      %mul3A_68 = arith.muli %mul3A_67, %while3A_66 : i32
      %gt3A_69 = arith.constant 0 : i32
      %gt3A_70 = arith.cmpi sgt, %while3A_66, %gt3A_69 : i32
      %convert_element_type3A_71 = arith.extui %gt3A_70 : i1 to i32
      %cond3A_72 = arith.constant 0 : i32
      %cond3A_73 = arith.cmpi ne, %convert_element_type3A_71, %cond3A_72 : i32
      scf.if %cond3A_73 {
        %dma_wait3A_100 = arith.constant 0 : i32
        %dma_wait3A_101 = arith.constant 0 : i32
        %dma_wait3A_102 = tpu.memref_slice %arg12[%dma_wait3A_100, %dma_wait3A_101] : memref<10240x144xf32, #tpu.memory_space<vmem_shared>> -> memref<10240x144xf32, #tpu.memory_space<vmem_shared>>
        tpu.wait_indirect_dma semaphore(%arg16 : memref<!tpu.dma_semaphore, #tpu.memory_space<semaphore_mem>>) src(%arg11 : memref<128x144xf32, #tpu.memory_space<vmem>>) dst(%dma_wait3A_102 : memref<10240x144xf32, #tpu.memory_space<vmem_shared>>)
      } else {
      }
      %add3A_74 = arith.constant 1 : i32
      %add3A_75 = arith.addi %mul3A_68, %add3A_74 : i32
      %mul3A_76 = arith.constant 128 : i32
      %mul3A_77 = arith.muli %add3A_75, %mul3A_76 : i32
      %add3A_78 = arith.addi %mul3A_10, %mul3A_77 : i32
      "tpu.region"() ({
        %run_scoped3A = tpu.sem_alloc : memref<!tpu.dma_semaphore, #tpu.memory_space<semaphore_mem>>
        %dma_start3A_100 = tpu.memref_slice %arg3[%add3A_78] : memref<327680xi32, #tpu.memory_space<hbm>> -> memref<128xi32, #tpu.memory_space<hbm>>
        %dma_start3A_101 = tpu.memref_slice %arg3[%add3A_78] : memref<327680xi32, #tpu.memory_space<hbm>> -> memref<128xi32, #tpu.memory_space<hbm>>
        tpu.enqueue_dma source(%dma_start3A_101 : memref<128xi32, #tpu.memory_space<hbm>>) target(%arg8 : memref<128xi32, #tpu.memory_space<vmem>>) target_semaphore(%run_scoped3A : memref<!tpu.dma_semaphore, #tpu.memory_space<semaphore_mem>>)
        %dma_wait3A_102 = tpu.memref_slice %arg3[%add3A_78] : memref<327680xi32, #tpu.memory_space<hbm>> -> memref<128xi32, #tpu.memory_space<hbm>>
        %dma_wait3A_103 = tpu.memref_slice %arg3[%add3A_78] : memref<327680xi32, #tpu.memory_space<hbm>> -> memref<128xi32, #tpu.memory_space<hbm>>
        tpu.wait_dma2 semaphore(%run_scoped3A : memref<!tpu.dma_semaphore, #tpu.memory_space<semaphore_mem>>) src(%dma_wait3A_103 : memref<128xi32, #tpu.memory_space<hbm>>) dst(%arg8 : memref<128xi32, #tpu.memory_space<vmem>>)
        tpu.yield
      }) : () -> ()
      %mul3A_79 = arith.constant 128 : i32
      %mul3A_80 = arith.muli %add3A_75, %mul3A_79 : i32
      %add3A_81 = arith.addi %mul3A_10, %mul3A_80 : i32
      "tpu.region"() ({
        %run_scoped3A = tpu.sem_alloc : memref<!tpu.dma_semaphore, #tpu.memory_space<semaphore_mem>>
        %dma_start3A_100 = tpu.memref_slice %arg4[%add3A_81] : memref<327680xi32, #tpu.memory_space<hbm>> -> memref<128xi32, #tpu.memory_space<hbm>>
        %dma_start3A_101 = tpu.memref_slice %arg4[%add3A_81] : memref<327680xi32, #tpu.memory_space<hbm>> -> memref<128xi32, #tpu.memory_space<hbm>>
        tpu.enqueue_dma source(%dma_start3A_101 : memref<128xi32, #tpu.memory_space<hbm>>) target(%arg9 : memref<128xi32, #tpu.memory_space<vmem>>) target_semaphore(%run_scoped3A : memref<!tpu.dma_semaphore, #tpu.memory_space<semaphore_mem>>)
        %dma_wait3A_102 = tpu.memref_slice %arg4[%add3A_81] : memref<327680xi32, #tpu.memory_space<hbm>> -> memref<128xi32, #tpu.memory_space<hbm>>
        %dma_wait3A_103 = tpu.memref_slice %arg4[%add3A_81] : memref<327680xi32, #tpu.memory_space<hbm>> -> memref<128xi32, #tpu.memory_space<hbm>>
        tpu.wait_dma2 semaphore(%run_scoped3A : memref<!tpu.dma_semaphore, #tpu.memory_space<semaphore_mem>>) src(%dma_wait3A_103 : memref<128xi32, #tpu.memory_space<hbm>>) dst(%arg9 : memref<128xi32, #tpu.memory_space<vmem>>)
        tpu.yield
      }) : () -> ()
      %dma_start3A = arith.constant 0 : i32
      %dma_start3A_82 = arith.constant 0 : i32
      %dma_start3A_83 = tpu.memref_slice %arg2[%dma_start3A, %dma_start3A_82] : memref<10000x144xf32, #tpu.memory_space<hbm>> -> memref<10000x144xf32, #tpu.memory_space<hbm>>
      tpu.enqueue_indirect_dma source(%dma_start3A_83 : memref<10000x144xf32, #tpu.memory_space<hbm>>) target(%arg11 : memref<128x144xf32, #tpu.memory_space<vmem>>) offsets(%arg8 : memref<128xi32, #tpu.memory_space<vmem>>) semaphore(%arg14 : memref<!tpu.dma_semaphore, #tpu.memory_space<semaphore_mem>>)
      %dma_wait3A = arith.constant 0 : i32
      %dma_wait3A_84 = arith.constant 0 : i32
      %dma_wait3A_85 = tpu.memref_slice %arg2[%dma_wait3A, %dma_wait3A_84] : memref<10000x144xf32, #tpu.memory_space<hbm>> -> memref<10000x144xf32, #tpu.memory_space<hbm>>
      tpu.wait_indirect_dma semaphore(%arg13 : memref<!tpu.dma_semaphore, #tpu.memory_space<semaphore_mem>>) src(%dma_wait3A_85 : memref<10000x144xf32, #tpu.memory_space<hbm>>) dst(%arg10 : memref<128x144xf32, #tpu.memory_space<vmem>>)
      %dma_start3A_86 = arith.constant 0 : i32
      %dma_start3A_87 = arith.constant 0 : i32
      %dma_start3A_88 = tpu.memref_slice %arg12[%dma_start3A_86, %dma_start3A_87] : memref<10240x144xf32, #tpu.memory_space<vmem_shared>> -> memref<10240x144xf32, #tpu.memory_space<vmem_shared>>
      tpu.enqueue_indirect_dma source(%arg10 : memref<128x144xf32, #tpu.memory_space<vmem>>) target(%dma_start3A_88 : memref<10240x144xf32, #tpu.memory_space<vmem_shared>>) offsets(%arg7 : memref<128xi32, #tpu.memory_space<vmem>>) semaphore(%arg15 : memref<!tpu.dma_semaphore, #tpu.memory_space<semaphore_mem>>) {add = true}
      %add3A_89 = arith.constant 2 : i32
      %add3A_90 = arith.addi %mul3A_68, %add3A_89 : i32
      %lt3A = arith.cmpi slt, %add3A_90, %select_n3A : i32
      %convert_element_type3A_91 = arith.extui %lt3A : i1 to i32
      %cond3A_92 = arith.constant 0 : i32
      %cond3A_93 = arith.cmpi ne, %convert_element_type3A_91, %cond3A_92 : i32
      scf.if %cond3A_93 {
        %dma_wait3A_100 = arith.constant 0 : i32
        %dma_wait3A_101 = arith.constant 0 : i32
        %dma_wait3A_102 = tpu.memref_slice %arg12[%dma_wait3A_100, %dma_wait3A_101] : memref<10240x144xf32, #tpu.memory_space<vmem_shared>> -> memref<10240x144xf32, #tpu.memory_space<vmem_shared>>
        tpu.wait_indirect_dma semaphore(%arg15 : memref<!tpu.dma_semaphore, #tpu.memory_space<semaphore_mem>>) src(%arg10 : memref<128x144xf32, #tpu.memory_space<vmem>>) dst(%dma_wait3A_102 : memref<10240x144xf32, #tpu.memory_space<vmem_shared>>)
        %add3A_103 = arith.constant 2 : i32
        %add3A_104 = arith.addi %mul3A_68, %add3A_103 : i32
        %mul3A_105 = arith.constant 128 : i32
        %mul3A_106 = arith.muli %add3A_104, %mul3A_105 : i32
        %add3A_107 = arith.addi %mul3A_10, %mul3A_106 : i32
        "tpu.region"() ({
          %run_scoped3A = tpu.sem_alloc : memref<!tpu.dma_semaphore, #tpu.memory_space<semaphore_mem>>
          %dma_start3A_114 = tpu.memref_slice %arg3[%add3A_107] : memref<327680xi32, #tpu.memory_space<hbm>> -> memref<128xi32, #tpu.memory_space<hbm>>
          %dma_start3A_115 = tpu.memref_slice %arg3[%add3A_107] : memref<327680xi32, #tpu.memory_space<hbm>> -> memref<128xi32, #tpu.memory_space<hbm>>
          tpu.enqueue_dma source(%dma_start3A_115 : memref<128xi32, #tpu.memory_space<hbm>>) target(%arg6 : memref<128xi32, #tpu.memory_space<vmem>>) target_semaphore(%run_scoped3A : memref<!tpu.dma_semaphore, #tpu.memory_space<semaphore_mem>>)
          %dma_wait3A_116 = tpu.memref_slice %arg3[%add3A_107] : memref<327680xi32, #tpu.memory_space<hbm>> -> memref<128xi32, #tpu.memory_space<hbm>>
          %dma_wait3A_117 = tpu.memref_slice %arg3[%add3A_107] : memref<327680xi32, #tpu.memory_space<hbm>> -> memref<128xi32, #tpu.memory_space<hbm>>
          tpu.wait_dma2 semaphore(%run_scoped3A : memref<!tpu.dma_semaphore, #tpu.memory_space<semaphore_mem>>) src(%dma_wait3A_117 : memref<128xi32, #tpu.memory_space<hbm>>) dst(%arg6 : memref<128xi32, #tpu.memory_space<vmem>>)
          tpu.yield
        }) : () -> ()
        %mul3A_108 = arith.constant 128 : i32
        %mul3A_109 = arith.muli %add3A_104, %mul3A_108 : i32
        %add3A_110 = arith.addi %mul3A_10, %mul3A_109 : i32
        "tpu.region"() ({
          %run_scoped3A = tpu.sem_alloc : memref<!tpu.dma_semaphore, #tpu.memory_space<semaphore_mem>>
          %dma_start3A_114 = tpu.memref_slice %arg4[%add3A_110] : memref<327680xi32, #tpu.memory_space<hbm>> -> memref<128xi32, #tpu.memory_space<hbm>>
          %dma_start3A_115 = tpu.memref_slice %arg4[%add3A_110] : memref<327680xi32, #tpu.memory_space<hbm>> -> memref<128xi32, #tpu.memory_space<hbm>>
          tpu.enqueue_dma source(%dma_start3A_115 : memref<128xi32, #tpu.memory_space<hbm>>) target(%arg7 : memref<128xi32, #tpu.memory_space<vmem>>) target_semaphore(%run_scoped3A : memref<!tpu.dma_semaphore, #tpu.memory_space<semaphore_mem>>)
          %dma_wait3A_116 = tpu.memref_slice %arg4[%add3A_110] : memref<327680xi32, #tpu.memory_space<hbm>> -> memref<128xi32, #tpu.memory_space<hbm>>
          %dma_wait3A_117 = tpu.memref_slice %arg4[%add3A_110] : memref<327680xi32, #tpu.memory_space<hbm>> -> memref<128xi32, #tpu.memory_space<hbm>>
          tpu.wait_dma2 semaphore(%run_scoped3A : memref<!tpu.dma_semaphore, #tpu.memory_space<semaphore_mem>>) src(%dma_wait3A_117 : memref<128xi32, #tpu.memory_space<hbm>>) dst(%arg7 : memref<128xi32, #tpu.memory_space<vmem>>)
          tpu.yield
        }) : () -> ()
        %dma_start3A_111 = arith.constant 0 : i32
        %dma_start3A_112 = arith.constant 0 : i32
        %dma_start3A_113 = tpu.memref_slice %arg2[%dma_start3A_111, %dma_start3A_112] : memref<10000x144xf32, #tpu.memory_space<hbm>> -> memref<10000x144xf32, #tpu.memory_space<hbm>>
        tpu.enqueue_indirect_dma source(%dma_start3A_113 : memref<10000x144xf32, #tpu.memory_space<hbm>>) target(%arg10 : memref<128x144xf32, #tpu.memory_space<vmem>>) offsets(%arg6 : memref<128xi32, #tpu.memory_space<vmem>>) semaphore(%arg13 : memref<!tpu.dma_semaphore, #tpu.memory_space<semaphore_mem>>)
      } else {
      }
      %dma_wait3A_94 = arith.constant 0 : i32
      %dma_wait3A_95 = arith.constant 0 : i32
      %dma_wait3A_96 = tpu.memref_slice %arg2[%dma_wait3A_94, %dma_wait3A_95] : memref<10000x144xf32, #tpu.memory_space<hbm>> -> memref<10000x144xf32, #tpu.memory_space<hbm>>
      tpu.wait_indirect_dma semaphore(%arg14 : memref<!tpu.dma_semaphore, #tpu.memory_space<semaphore_mem>>) src(%dma_wait3A_96 : memref<10000x144xf32, #tpu.memory_space<hbm>>) dst(%arg11 : memref<128x144xf32, #tpu.memory_space<vmem>>)
      %dma_start3A_97 = arith.constant 0 : i32
      %dma_start3A_98 = arith.constant 0 : i32
      %dma_start3A_99 = tpu.memref_slice %arg12[%dma_start3A_97, %dma_start3A_98] : memref<10240x144xf32, #tpu.memory_space<vmem_shared>> -> memref<10240x144xf32, #tpu.memory_space<vmem_shared>>
      tpu.enqueue_indirect_dma source(%arg11 : memref<128x144xf32, #tpu.memory_space<vmem>>) target(%dma_start3A_99 : memref<10240x144xf32, #tpu.memory_space<vmem_shared>>) offsets(%arg9 : memref<128xi32, #tpu.memory_space<vmem>>) semaphore(%arg16 : memref<!tpu.dma_semaphore, #tpu.memory_space<semaphore_mem>>) {add = true}
    }
    %gt3A_57 = arith.constant 0 : i32
    %gt3A_58 = arith.cmpi sgt, %select_n3A, %gt3A_57 : i32
    %convert_element_type3A_59 = arith.extui %gt3A_58 : i1 to i32
    %cond3A_60 = arith.constant 0 : i32
    %cond3A_61 = arith.cmpi ne, %convert_element_type3A_59, %cond3A_60 : i32
    scf.if %cond3A_61 {
      %dma_wait3A = arith.constant 0 : i32
      %dma_wait3A_66 = arith.constant 0 : i32
      %dma_wait3A_67 = tpu.memref_slice %arg12[%dma_wait3A, %dma_wait3A_66] : memref<10240x144xf32, #tpu.memory_space<vmem_shared>> -> memref<10240x144xf32, #tpu.memory_space<vmem_shared>>
      tpu.wait_indirect_dma semaphore(%arg15 : memref<!tpu.dma_semaphore, #tpu.memory_space<semaphore_mem>>) src(%arg10 : memref<128x144xf32, #tpu.memory_space<vmem>>) dst(%dma_wait3A_67 : memref<10240x144xf32, #tpu.memory_space<vmem_shared>>)
      %dma_wait3A_68 = arith.constant 0 : i32
      %dma_wait3A_69 = arith.constant 0 : i32
      %dma_wait3A_70 = tpu.memref_slice %arg12[%dma_wait3A_68, %dma_wait3A_69] : memref<10240x144xf32, #tpu.memory_space<vmem_shared>> -> memref<10240x144xf32, #tpu.memory_space<vmem_shared>>
      tpu.wait_indirect_dma semaphore(%arg16 : memref<!tpu.dma_semaphore, #tpu.memory_space<semaphore_mem>>) src(%arg11 : memref<128x144xf32, #tpu.memory_space<vmem>>) dst(%dma_wait3A_70 : memref<10240x144xf32, #tpu.memory_space<vmem_shared>>)
    } else {
    }
    %barrier3A_62 = arith.constant 0 : index
    tpu.barrier barrier_id(%barrier3A_62)
    %mul3A_63 = arith.constant 10240 : i32
    %mul3A_64 = arith.muli %arg0, %mul3A_63 : i32
    %add3A_65 = arith.addi %mul3A_64, %mul3A_17 : i32
    "tpu.region"() ({
      %run_scoped3A = tpu.sem_alloc : memref<!tpu.dma_semaphore, #tpu.memory_space<semaphore_mem>>
      %dma_start3A = arith.constant 0 : i32
      %dma_start3A_66 = tpu.memref_slice %arg5[%add3A_65, %dma_start3A] : memref<20480x144xf32, #tpu.memory_space<hbm>> -> memref<640x144xf32, #tpu.memory_space<hbm>>
      %dma_start3A_67 = arith.constant 0 : i32
      %dma_start3A_68 = tpu.memref_slice %arg12[%mul3A_17, %dma_start3A_67] : memref<10240x144xf32, #tpu.memory_space<vmem_shared>> -> memref<640x144xf32, #tpu.memory_space<vmem_shared>>
      tpu.enqueue_dma source(%dma_start3A_68 : memref<640x144xf32, #tpu.memory_space<vmem_shared>>) target(%dma_start3A_66 : memref<640x144xf32, #tpu.memory_space<hbm>>) target_semaphore(%run_scoped3A : memref<!tpu.dma_semaphore, #tpu.memory_space<semaphore_mem>>)
      %dma_wait3A = arith.constant 0 : i32
      %dma_wait3A_69 = tpu.memref_slice %arg5[%add3A_65, %dma_wait3A] : memref<20480x144xf32, #tpu.memory_space<hbm>> -> memref<640x144xf32, #tpu.memory_space<hbm>>
      %dma_wait3A_70 = arith.constant 0 : i32
      %dma_wait3A_71 = tpu.memref_slice %arg12[%mul3A_17, %dma_wait3A_70] : memref<10240x144xf32, #tpu.memory_space<vmem_shared>> -> memref<640x144xf32, #tpu.memory_space<vmem_shared>>
      tpu.wait_dma2 semaphore(%run_scoped3A : memref<!tpu.dma_semaphore, #tpu.memory_space<semaphore_mem>>) src(%dma_wait3A_71 : memref<640x144xf32, #tpu.memory_space<vmem_shared>>) dst(%dma_wait3A_69 : memref<640x144xf32, #tpu.memory_space<hbm>>)
      tpu.yield
    }) : () -> ()
    return
  }
}

#map = affine_map<(d0, d1) -> (0, 0)>
#map1 = affine_map<(d0, d1) -> (0)>
module attributes {stable_mosaic.version = 14 : i64} {
  func.func @body(%arg0: i32, %arg1: i32, %arg2: memref<10000x128xf32, #tpu.memory_space<hbm>>, %arg3: memref<327680xi32, #tpu.memory_space<hbm>>, %arg4: memref<327680xi32, #tpu.memory_space<hbm>>, %arg5: memref<20480x128xf32, #tpu.memory_space<hbm>>, %arg6: memref<128xi32, #tpu.memory_space<vmem>>, %arg7: memref<128xi32, #tpu.memory_space<vmem>>, %arg8: memref<128xi32, #tpu.memory_space<vmem>>, %arg9: memref<128xi32, #tpu.memory_space<vmem>>, %arg10: memref<128x128xf32, #tpu.memory_space<vmem>>, %arg11: memref<128x128xf32, #tpu.memory_space<vmem>>, %arg12: memref<10240x128xf32, #tpu.memory_space<vmem_shared>>, %arg13: memref<!tpu.dma_semaphore, #tpu.memory_space<semaphore_mem>>, %arg14: memref<!tpu.dma_semaphore, #tpu.memory_space<semaphore_mem>>, %arg15: memref<!tpu.dma_semaphore, #tpu.memory_space<semaphore_mem>>, %arg16: memref<!tpu.dma_semaphore, #tpu.memory_space<semaphore_mem>>) attributes {dimension_semantics = [#tpu.dimension_semantics<core_parallel>, #tpu.dimension_semantics<subcore_parallel>], iteration_bounds = array<i64: 2, 16>, scalar_prefetch = 0 : i64, scratch_operands = 11 : i64, tpu.core_type = #tpu.core_type<sc_vector_subcore>, window_params = [{transform_indices = #map}, {transform_indices = #map1}, {transform_indices = #map1}, {transform_indices = #map}]} {
    %eq3A = arith.constant 0 : i32
    %eq3A_0 = arith.cmpi eq, %arg0, %eq3A : i32
    %jit3A = arith.constant 120 : i32
    %jit3A_1 = arith.constant 40 : i32
    %select_n3A = arith.select %eq3A_0, %jit3A, %jit3A_1 : i32
    %eq3A_2 = arith.constant 0 : i32
    %eq3A_3 = arith.cmpi eq, %arg0, %eq3A_2 : i32
    %mul3A = arith.constant 120 : i32
    %mul3A_4 = arith.muli %arg1, %mul3A : i32
    %mul3A_5 = arith.constant 40 : i32
    %mul3A_6 = arith.muli %arg1, %mul3A_5 : i32
    %add3A = arith.constant 1920 : i32
    %add3A_7 = arith.addi %add3A, %mul3A_6 : i32
    %select_n3A_8 = arith.select %eq3A_3, %mul3A_4, %add3A_7 : i32
    %mul3A_9 = arith.constant 128 : i32
    %mul3A_10 = arith.muli %select_n3A_8, %mul3A_9 : i32
    %scan3A = arith.constant 0 : i32
    %scan3A_11 = arith.constant 0 : i32
    %scan3A_12 = arith.constant 128 : i32
    %scan3A_13 = arith.addi %scan3A_11, %scan3A_12 : i32
    %scan3A_14 = arith.constant 1 : i32
    scf.for %scan3A_66 = %scan3A_11 to %scan3A_13 step %scan3A_14  : i32 {
      %broadcast_in_dim3A = arith.constant 0.000000e+00 : f32
      %broadcast_in_dim3A_67 = vector.broadcast %broadcast_in_dim3A : f32 to vector<16xf32>
      %swap3A = arith.index_cast %scan3A_66 : i32 to index
      %swap3A_68 = arith.constant 0 : index
      %swap3A_69 = tpu.vector_load %arg10[%swap3A, %swap3A_68] {strides = array<i32>} : memref<128x128xf32, #tpu.memory_space<vmem>>, vector<1x16xf32>,
      %swap3A_70 = vector.shape_cast %swap3A_69 : vector<1x16xf32> to vector<16xf32>
      %swap3A_71 = vector.shape_cast %broadcast_in_dim3A_67 : vector<16xf32> to vector<1x16xf32>
      tpu.vector_store %arg10[%swap3A, %swap3A_68], %swap3A_71 {strides = array<i32>} : memref<128x128xf32, #tpu.memory_space<vmem>>, vector<1x16xf32>,
      %broadcast_in_dim3A_72 = arith.constant 0.000000e+00 : f32
      %broadcast_in_dim3A_73 = vector.broadcast %broadcast_in_dim3A_72 : f32 to vector<16xf32>
      %swap3A_74 = arith.index_cast %scan3A_66 : i32 to index
      %swap3A_75 = arith.constant 16 : index
      %swap3A_76 = tpu.vector_load %arg10[%swap3A_74, %swap3A_75] {strides = array<i32>} : memref<128x128xf32, #tpu.memory_space<vmem>>, vector<1x16xf32>,
      %swap3A_77 = vector.shape_cast %swap3A_76 : vector<1x16xf32> to vector<16xf32>
      %swap3A_78 = vector.shape_cast %broadcast_in_dim3A_73 : vector<16xf32> to vector<1x16xf32>
      tpu.vector_store %arg10[%swap3A_74, %swap3A_75], %swap3A_78 {strides = array<i32>} : memref<128x128xf32, #tpu.memory_space<vmem>>, vector<1x16xf32>,
      %broadcast_in_dim3A_79 = arith.constant 0.000000e+00 : f32
      %broadcast_in_dim3A_80 = vector.broadcast %broadcast_in_dim3A_79 : f32 to vector<16xf32>
      %swap3A_81 = arith.index_cast %scan3A_66 : i32 to index
      %swap3A_82 = arith.constant 32 : index
      %swap3A_83 = tpu.vector_load %arg10[%swap3A_81, %swap3A_82] {strides = array<i32>} : memref<128x128xf32, #tpu.memory_space<vmem>>, vector<1x16xf32>,
      %swap3A_84 = vector.shape_cast %swap3A_83 : vector<1x16xf32> to vector<16xf32>
      %swap3A_85 = vector.shape_cast %broadcast_in_dim3A_80 : vector<16xf32> to vector<1x16xf32>
      tpu.vector_store %arg10[%swap3A_81, %swap3A_82], %swap3A_85 {strides = array<i32>} : memref<128x128xf32, #tpu.memory_space<vmem>>, vector<1x16xf32>,
      %broadcast_in_dim3A_86 = arith.constant 0.000000e+00 : f32
      %broadcast_in_dim3A_87 = vector.broadcast %broadcast_in_dim3A_86 : f32 to vector<16xf32>
      %swap3A_88 = arith.index_cast %scan3A_66 : i32 to index
      %swap3A_89 = arith.constant 48 : index
      %swap3A_90 = tpu.vector_load %arg10[%swap3A_88, %swap3A_89] {strides = array<i32>} : memref<128x128xf32, #tpu.memory_space<vmem>>, vector<1x16xf32>,
      %swap3A_91 = vector.shape_cast %swap3A_90 : vector<1x16xf32> to vector<16xf32>
      %swap3A_92 = vector.shape_cast %broadcast_in_dim3A_87 : vector<16xf32> to vector<1x16xf32>
      tpu.vector_store %arg10[%swap3A_88, %swap3A_89], %swap3A_92 {strides = array<i32>} : memref<128x128xf32, #tpu.memory_space<vmem>>, vector<1x16xf32>,
      %broadcast_in_dim3A_93 = arith.constant 0.000000e+00 : f32
      %broadcast_in_dim3A_94 = vector.broadcast %broadcast_in_dim3A_93 : f32 to vector<16xf32>
      %swap3A_95 = arith.index_cast %scan3A_66 : i32 to index
      %swap3A_96 = arith.constant 64 : index
      %swap3A_97 = tpu.vector_load %arg10[%swap3A_95, %swap3A_96] {strides = array<i32>} : memref<128x128xf32, #tpu.memory_space<vmem>>, vector<1x16xf32>,
      %swap3A_98 = vector.shape_cast %swap3A_97 : vector<1x16xf32> to vector<16xf32>
      %swap3A_99 = vector.shape_cast %broadcast_in_dim3A_94 : vector<16xf32> to vector<1x16xf32>
      tpu.vector_store %arg10[%swap3A_95, %swap3A_96], %swap3A_99 {strides = array<i32>} : memref<128x128xf32, #tpu.memory_space<vmem>>, vector<1x16xf32>,
      %broadcast_in_dim3A_100 = arith.constant 0.000000e+00 : f32
      %broadcast_in_dim3A_101 = vector.broadcast %broadcast_in_dim3A_100 : f32 to vector<16xf32>
      %swap3A_102 = arith.index_cast %scan3A_66 : i32 to index
      %swap3A_103 = arith.constant 80 : index
      %swap3A_104 = tpu.vector_load %arg10[%swap3A_102, %swap3A_103] {strides = array<i32>} : memref<128x128xf32, #tpu.memory_space<vmem>>, vector<1x16xf32>,
      %swap3A_105 = vector.shape_cast %swap3A_104 : vector<1x16xf32> to vector<16xf32>
      %swap3A_106 = vector.shape_cast %broadcast_in_dim3A_101 : vector<16xf32> to vector<1x16xf32>
      tpu.vector_store %arg10[%swap3A_102, %swap3A_103], %swap3A_106 {strides = array<i32>} : memref<128x128xf32, #tpu.memory_space<vmem>>, vector<1x16xf32>,
      %broadcast_in_dim3A_107 = arith.constant 0.000000e+00 : f32
      %broadcast_in_dim3A_108 = vector.broadcast %broadcast_in_dim3A_107 : f32 to vector<16xf32>
      %swap3A_109 = arith.index_cast %scan3A_66 : i32 to index
      %swap3A_110 = arith.constant 96 : index
      %swap3A_111 = tpu.vector_load %arg10[%swap3A_109, %swap3A_110] {strides = array<i32>} : memref<128x128xf32, #tpu.memory_space<vmem>>, vector<1x16xf32>,
      %swap3A_112 = vector.shape_cast %swap3A_111 : vector<1x16xf32> to vector<16xf32>
      %swap3A_113 = vector.shape_cast %broadcast_in_dim3A_108 : vector<16xf32> to vector<1x16xf32>
      tpu.vector_store %arg10[%swap3A_109, %swap3A_110], %swap3A_113 {strides = array<i32>} : memref<128x128xf32, #tpu.memory_space<vmem>>, vector<1x16xf32>,
      %broadcast_in_dim3A_114 = arith.constant 0.000000e+00 : f32
      %broadcast_in_dim3A_115 = vector.broadcast %broadcast_in_dim3A_114 : f32 to vector<16xf32>
      %swap3A_116 = arith.index_cast %scan3A_66 : i32 to index
      %swap3A_117 = arith.constant 112 : index
      %swap3A_118 = tpu.vector_load %arg10[%swap3A_116, %swap3A_117] {strides = array<i32>} : memref<128x128xf32, #tpu.memory_space<vmem>>, vector<1x16xf32>,
      %swap3A_119 = vector.shape_cast %swap3A_118 : vector<1x16xf32> to vector<16xf32>
      %swap3A_120 = vector.shape_cast %broadcast_in_dim3A_115 : vector<16xf32> to vector<1x16xf32>
      tpu.vector_store %arg10[%swap3A_116, %swap3A_117], %swap3A_120 {strides = array<i32>} : memref<128x128xf32, #tpu.memory_space<vmem>>, vector<1x16xf32>,
    }
    %scan3A_15 = arith.constant 128 : i32
    %mul3A_16 = arith.constant 640 : i32
    %mul3A_17 = arith.muli %arg1, %mul3A_16 : i32
    %add3A_18 = arith.constant 0 : i32
    %add3A_19 = arith.addi %mul3A_17, %add3A_18 : i32
    "tpu.region"() ({
      %run_scoped3A = tpu.sem_alloc : memref<!tpu.dma_semaphore, #tpu.memory_space<semaphore_mem>>
      %dma_start3A = arith.constant 0 : i32
      %dma_start3A_66 = tpu.memref_slice %arg12[%add3A_19, %dma_start3A] : memref<10240x128xf32, #tpu.memory_space<vmem_shared>> -> memref<128x128xf32, #tpu.memory_space<vmem_shared>>
      %dma_start3A_67 = arith.constant 0 : i32
      %dma_start3A_68 = tpu.memref_slice %arg12[%add3A_19, %dma_start3A_67] : memref<10240x128xf32, #tpu.memory_space<vmem_shared>> -> memref<128x128xf32, #tpu.memory_space<vmem_shared>>
      tpu.enqueue_dma source(%arg10 : memref<128x128xf32, #tpu.memory_space<vmem>>) target(%dma_start3A_68 : memref<128x128xf32, #tpu.memory_space<vmem_shared>>) target_semaphore(%run_scoped3A : memref<!tpu.dma_semaphore, #tpu.memory_space<semaphore_mem>>)
      %dma_wait3A = arith.constant 0 : i32
      %dma_wait3A_69 = tpu.memref_slice %arg12[%add3A_19, %dma_wait3A] : memref<10240x128xf32, #tpu.memory_space<vmem_shared>> -> memref<128x128xf32, #tpu.memory_space<vmem_shared>>
      %dma_wait3A_70 = arith.constant 0 : i32
      %dma_wait3A_71 = tpu.memref_slice %arg12[%add3A_19, %dma_wait3A_70] : memref<10240x128xf32, #tpu.memory_space<vmem_shared>> -> memref<128x128xf32, #tpu.memory_space<vmem_shared>>
      tpu.wait_dma2 semaphore(%run_scoped3A : memref<!tpu.dma_semaphore, #tpu.memory_space<semaphore_mem>>) src(%arg10 : memref<128x128xf32, #tpu.memory_space<vmem>>) dst(%dma_wait3A_71 : memref<128x128xf32, #tpu.memory_space<vmem_shared>>)
      tpu.yield
    }) : () -> ()
    %add3A_20 = arith.constant 128 : i32
    %add3A_21 = arith.addi %mul3A_17, %add3A_20 : i32
    "tpu.region"() ({
      %run_scoped3A = tpu.sem_alloc : memref<!tpu.dma_semaphore, #tpu.memory_space<semaphore_mem>>
      %dma_start3A = arith.constant 0 : i32
      %dma_start3A_66 = tpu.memref_slice %arg12[%add3A_21, %dma_start3A] : memref<10240x128xf32, #tpu.memory_space<vmem_shared>> -> memref<128x128xf32, #tpu.memory_space<vmem_shared>>
      %dma_start3A_67 = arith.constant 0 : i32
      %dma_start3A_68 = tpu.memref_slice %arg12[%add3A_21, %dma_start3A_67] : memref<10240x128xf32, #tpu.memory_space<vmem_shared>> -> memref<128x128xf32, #tpu.memory_space<vmem_shared>>
      tpu.enqueue_dma source(%arg10 : memref<128x128xf32, #tpu.memory_space<vmem>>) target(%dma_start3A_68 : memref<128x128xf32, #tpu.memory_space<vmem_shared>>) target_semaphore(%run_scoped3A : memref<!tpu.dma_semaphore, #tpu.memory_space<semaphore_mem>>)
      %dma_wait3A = arith.constant 0 : i32
      %dma_wait3A_69 = tpu.memref_slice %arg12[%add3A_21, %dma_wait3A] : memref<10240x128xf32, #tpu.memory_space<vmem_shared>> -> memref<128x128xf32, #tpu.memory_space<vmem_shared>>
      %dma_wait3A_70 = arith.constant 0 : i32
      %dma_wait3A_71 = tpu.memref_slice %arg12[%add3A_21, %dma_wait3A_70] : memref<10240x128xf32, #tpu.memory_space<vmem_shared>> -> memref<128x128xf32, #tpu.memory_space<vmem_shared>>
      tpu.wait_dma2 semaphore(%run_scoped3A : memref<!tpu.dma_semaphore, #tpu.memory_space<semaphore_mem>>) src(%arg10 : memref<128x128xf32, #tpu.memory_space<vmem>>) dst(%dma_wait3A_71 : memref<128x128xf32, #tpu.memory_space<vmem_shared>>)
      tpu.yield
    }) : () -> ()
    %add3A_22 = arith.constant 256 : i32
    %add3A_23 = arith.addi %mul3A_17, %add3A_22 : i32
    "tpu.region"() ({
      %run_scoped3A = tpu.sem_alloc : memref<!tpu.dma_semaphore, #tpu.memory_space<semaphore_mem>>
      %dma_start3A = arith.constant 0 : i32
      %dma_start3A_66 = tpu.memref_slice %arg12[%add3A_23, %dma_start3A] : memref<10240x128xf32, #tpu.memory_space<vmem_shared>> -> memref<128x128xf32, #tpu.memory_space<vmem_shared>>
      %dma_start3A_67 = arith.constant 0 : i32
      %dma_start3A_68 = tpu.memref_slice %arg12[%add3A_23, %dma_start3A_67] : memref<10240x128xf32, #tpu.memory_space<vmem_shared>> -> memref<128x128xf32, #tpu.memory_space<vmem_shared>>
      tpu.enqueue_dma source(%arg10 : memref<128x128xf32, #tpu.memory_space<vmem>>) target(%dma_start3A_68 : memref<128x128xf32, #tpu.memory_space<vmem_shared>>) target_semaphore(%run_scoped3A : memref<!tpu.dma_semaphore, #tpu.memory_space<semaphore_mem>>)
      %dma_wait3A = arith.constant 0 : i32
      %dma_wait3A_69 = tpu.memref_slice %arg12[%add3A_23, %dma_wait3A] : memref<10240x128xf32, #tpu.memory_space<vmem_shared>> -> memref<128x128xf32, #tpu.memory_space<vmem_shared>>
      %dma_wait3A_70 = arith.constant 0 : i32
      %dma_wait3A_71 = tpu.memref_slice %arg12[%add3A_23, %dma_wait3A_70] : memref<10240x128xf32, #tpu.memory_space<vmem_shared>> -> memref<128x128xf32, #tpu.memory_space<vmem_shared>>
      tpu.wait_dma2 semaphore(%run_scoped3A : memref<!tpu.dma_semaphore, #tpu.memory_space<semaphore_mem>>) src(%arg10 : memref<128x128xf32, #tpu.memory_space<vmem>>) dst(%dma_wait3A_71 : memref<128x128xf32, #tpu.memory_space<vmem_shared>>)
      tpu.yield
    }) : () -> ()
    %add3A_24 = arith.constant 384 : i32
    %add3A_25 = arith.addi %mul3A_17, %add3A_24 : i32
    "tpu.region"() ({
      %run_scoped3A = tpu.sem_alloc : memref<!tpu.dma_semaphore, #tpu.memory_space<semaphore_mem>>
      %dma_start3A = arith.constant 0 : i32
      %dma_start3A_66 = tpu.memref_slice %arg12[%add3A_25, %dma_start3A] : memref<10240x128xf32, #tpu.memory_space<vmem_shared>> -> memref<128x128xf32, #tpu.memory_space<vmem_shared>>
      %dma_start3A_67 = arith.constant 0 : i32
      %dma_start3A_68 = tpu.memref_slice %arg12[%add3A_25, %dma_start3A_67] : memref<10240x128xf32, #tpu.memory_space<vmem_shared>> -> memref<128x128xf32, #tpu.memory_space<vmem_shared>>
      tpu.enqueue_dma source(%arg10 : memref<128x128xf32, #tpu.memory_space<vmem>>) target(%dma_start3A_68 : memref<128x128xf32, #tpu.memory_space<vmem_shared>>) target_semaphore(%run_scoped3A : memref<!tpu.dma_semaphore, #tpu.memory_space<semaphore_mem>>)
      %dma_wait3A = arith.constant 0 : i32
      %dma_wait3A_69 = tpu.memref_slice %arg12[%add3A_25, %dma_wait3A] : memref<10240x128xf32, #tpu.memory_space<vmem_shared>> -> memref<128x128xf32, #tpu.memory_space<vmem_shared>>
      %dma_wait3A_70 = arith.constant 0 : i32
      %dma_wait3A_71 = tpu.memref_slice %arg12[%add3A_25, %dma_wait3A_70] : memref<10240x128xf32, #tpu.memory_space<vmem_shared>> -> memref<128x128xf32, #tpu.memory_space<vmem_shared>>
      tpu.wait_dma2 semaphore(%run_scoped3A : memref<!tpu.dma_semaphore, #tpu.memory_space<semaphore_mem>>) src(%arg10 : memref<128x128xf32, #tpu.memory_space<vmem>>) dst(%dma_wait3A_71 : memref<128x128xf32, #tpu.memory_space<vmem_shared>>)
      tpu.yield
    }) : () -> ()
    %add3A_26 = arith.constant 512 : i32
    %add3A_27 = arith.addi %mul3A_17, %add3A_26 : i32
    "tpu.region"() ({
      %run_scoped3A = tpu.sem_alloc : memref<!tpu.dma_semaphore, #tpu.memory_space<semaphore_mem>>
      %dma_start3A = arith.constant 0 : i32
      %dma_start3A_66 = tpu.memref_slice %arg12[%add3A_27, %dma_start3A] : memref<10240x128xf32, #tpu.memory_space<vmem_shared>> -> memref<128x128xf32, #tpu.memory_space<vmem_shared>>
      %dma_start3A_67 = arith.constant 0 : i32
      %dma_start3A_68 = tpu.memref_slice %arg12[%add3A_27, %dma_start3A_67] : memref<10240x128xf32, #tpu.memory_space<vmem_shared>> -> memref<128x128xf32, #tpu.memory_space<vmem_shared>>
      tpu.enqueue_dma source(%arg10 : memref<128x128xf32, #tpu.memory_space<vmem>>) target(%dma_start3A_68 : memref<128x128xf32, #tpu.memory_space<vmem_shared>>) target_semaphore(%run_scoped3A : memref<!tpu.dma_semaphore, #tpu.memory_space<semaphore_mem>>)
      %dma_wait3A = arith.constant 0 : i32
      %dma_wait3A_69 = tpu.memref_slice %arg12[%add3A_27, %dma_wait3A] : memref<10240x128xf32, #tpu.memory_space<vmem_shared>> -> memref<128x128xf32, #tpu.memory_space<vmem_shared>>
      %dma_wait3A_70 = arith.constant 0 : i32
      %dma_wait3A_71 = tpu.memref_slice %arg12[%add3A_27, %dma_wait3A_70] : memref<10240x128xf32, #tpu.memory_space<vmem_shared>> -> memref<128x128xf32, #tpu.memory_space<vmem_shared>>
      tpu.wait_dma2 semaphore(%run_scoped3A : memref<!tpu.dma_semaphore, #tpu.memory_space<semaphore_mem>>) src(%arg10 : memref<128x128xf32, #tpu.memory_space<vmem>>) dst(%dma_wait3A_71 : memref<128x128xf32, #tpu.memory_space<vmem_shared>>)
      tpu.yield
    }) : () -> ()
    %barrier3A = arith.constant 0 : index
    tpu.barrier barrier_id(%barrier3A)
    %gt3A = arith.constant 0 : i32
    %gt3A_28 = arith.cmpi sgt, %select_n3A, %gt3A : i32
    %convert_element_type3A = arith.extui %gt3A_28 : i1 to i32
    %cond3A = arith.constant 0 : i32
    %cond3A_29 = arith.cmpi ne, %convert_element_type3A, %cond3A : i32
    scf.if %cond3A_29 {
      %add3A_66 = arith.constant 0 : i32
      %add3A_67 = arith.addi %mul3A_10, %add3A_66 : i32
      "tpu.region"() ({
        %run_scoped3A = tpu.sem_alloc : memref<!tpu.dma_semaphore, #tpu.memory_space<semaphore_mem>>
        %dma_start3A_72 = tpu.memref_slice %arg3[%add3A_67] : memref<327680xi32, #tpu.memory_space<hbm>> -> memref<128xi32, #tpu.memory_space<hbm>>
        %dma_start3A_73 = tpu.memref_slice %arg3[%add3A_67] : memref<327680xi32, #tpu.memory_space<hbm>> -> memref<128xi32, #tpu.memory_space<hbm>>
        tpu.enqueue_dma source(%dma_start3A_73 : memref<128xi32, #tpu.memory_space<hbm>>) target(%arg6 : memref<128xi32, #tpu.memory_space<vmem>>) target_semaphore(%run_scoped3A : memref<!tpu.dma_semaphore, #tpu.memory_space<semaphore_mem>>)
        %dma_wait3A = tpu.memref_slice %arg3[%add3A_67] : memref<327680xi32, #tpu.memory_space<hbm>> -> memref<128xi32, #tpu.memory_space<hbm>>
        %dma_wait3A_74 = tpu.memref_slice %arg3[%add3A_67] : memref<327680xi32, #tpu.memory_space<hbm>> -> memref<128xi32, #tpu.memory_space<hbm>>
        tpu.wait_dma2 semaphore(%run_scoped3A : memref<!tpu.dma_semaphore, #tpu.memory_space<semaphore_mem>>) src(%dma_wait3A_74 : memref<128xi32, #tpu.memory_space<hbm>>) dst(%arg6 : memref<128xi32, #tpu.memory_space<vmem>>)
        tpu.yield
      }) : () -> ()
      %add3A_68 = arith.constant 0 : i32
      %add3A_69 = arith.addi %mul3A_10, %add3A_68 : i32
      "tpu.region"() ({
        %run_scoped3A = tpu.sem_alloc : memref<!tpu.dma_semaphore, #tpu.memory_space<semaphore_mem>>
        %dma_start3A_72 = tpu.memref_slice %arg4[%add3A_69] : memref<327680xi32, #tpu.memory_space<hbm>> -> memref<128xi32, #tpu.memory_space<hbm>>
        %dma_start3A_73 = tpu.memref_slice %arg4[%add3A_69] : memref<327680xi32, #tpu.memory_space<hbm>> -> memref<128xi32, #tpu.memory_space<hbm>>
        tpu.enqueue_dma source(%dma_start3A_73 : memref<128xi32, #tpu.memory_space<hbm>>) target(%arg7 : memref<128xi32, #tpu.memory_space<vmem>>) target_semaphore(%run_scoped3A : memref<!tpu.dma_semaphore, #tpu.memory_space<semaphore_mem>>)
        %dma_wait3A = tpu.memref_slice %arg4[%add3A_69] : memref<327680xi32, #tpu.memory_space<hbm>> -> memref<128xi32, #tpu.memory_space<hbm>>
        %dma_wait3A_74 = tpu.memref_slice %arg4[%add3A_69] : memref<327680xi32, #tpu.memory_space<hbm>> -> memref<128xi32, #tpu.memory_space<hbm>>
        tpu.wait_dma2 semaphore(%run_scoped3A : memref<!tpu.dma_semaphore, #tpu.memory_space<semaphore_mem>>) src(%dma_wait3A_74 : memref<128xi32, #tpu.memory_space<hbm>>) dst(%arg7 : memref<128xi32, #tpu.memory_space<vmem>>)
        tpu.yield
      }) : () -> ()
      %dma_start3A = arith.constant 0 : i32
      %dma_start3A_70 = arith.constant 0 : i32
      %dma_start3A_71 = tpu.memref_slice %arg2[%dma_start3A, %dma_start3A_70] : memref<10000x128xf32, #tpu.memory_space<hbm>> -> memref<10000x128xf32, #tpu.memory_space<hbm>>
      tpu.enqueue_indirect_dma source(%dma_start3A_71 : memref<10000x128xf32, #tpu.memory_space<hbm>>) target(%arg10 : memref<128x128xf32, #tpu.memory_space<vmem>>) offsets(%arg6 : memref<128xi32, #tpu.memory_space<vmem>>) semaphore(%arg13 : memref<!tpu.dma_semaphore, #tpu.memory_space<semaphore_mem>>)
    } else {
    }
    %jit3A_30 = arith.constant 2 : i32
    %div3A = arith.divsi %select_n3A, %jit3A_30 : i32
    %sign3A = arith.constant 0 : i32
    %sign3A_31 = arith.cmpi sgt, %select_n3A, %sign3A : i32
    %sign3A_32 = arith.extui %sign3A_31 : i1 to i32
    %sign3A_33 = arith.constant 0 : i32
    %sign3A_34 = arith.cmpi slt, %select_n3A, %sign3A_33 : i32
    %sign3A_35 = arith.extui %sign3A_34 : i1 to i32
    %sign3A_36 = arith.subi %sign3A_32, %sign3A_35 : i32
    %sign3A_37 = arith.constant 0 : i32
    %sign3A_38 = arith.cmpi sgt, %jit3A_30, %sign3A_37 : i32
    %sign3A_39 = arith.extui %sign3A_38 : i1 to i32
    %sign3A_40 = arith.constant 0 : i32
    %sign3A_41 = arith.cmpi slt, %jit3A_30, %sign3A_40 : i32
    %sign3A_42 = arith.extui %sign3A_41 : i1 to i32
    %sign3A_43 = arith.subi %sign3A_39, %sign3A_42 : i32
    %ne3A = arith.cmpi ne, %sign3A_36, %sign3A_43 : i32
    %rem3A = arith.remsi %select_n3A, %jit3A_30 : i32
    %ne3A_44 = arith.constant 0 : i32
    %ne3A_45 = arith.cmpi ne, %rem3A, %ne3A_44 : i32
    %and3A = arith.andi %ne3A, %ne3A_45 : i1
    %sub3A = arith.constant 1 : i32
    %sub3A_46 = arith.subi %div3A, %sub3A : i32
    %select_n3A_47 = arith.select %and3A, %sub3A_46, %div3A : i32
    %while3A = arith.constant 0 : i32
    %while3A_48 = arith.constant 0 : i32
    %while3A_49 = arith.subi %select_n3A_47, %while3A_48 : i32
    %while3A_50 = arith.addi %while3A_48, %while3A_49 : i32
    %while3A_51 = arith.constant 1 : i32
    %while3A_52 = arith.divsi %while3A_49, %while3A_51 : i32
    %while3A_53 = arith.muli %while3A_52, %while3A_51 : i32
    %while3A_54 = arith.addi %while3A_48, %while3A_53 : i32
    %while3A_55 = arith.constant 1 : i32
    scf.for %while3A_66 = %while3A_48 to %while3A_54 step %while3A_55  : i32 {
      %mul3A_67 = arith.constant 2 : i32
      %mul3A_68 = arith.muli %mul3A_67, %while3A_66 : i32
      %gt3A_69 = arith.constant 0 : i32
      %gt3A_70 = arith.cmpi sgt, %while3A_66, %gt3A_69 : i32
      %convert_element_type3A_71 = arith.extui %gt3A_70 : i1 to i32
      %cond3A_72 = arith.constant 0 : i32
      %cond3A_73 = arith.cmpi ne, %convert_element_type3A_71, %cond3A_72 : i32
      scf.if %cond3A_73 {
        %dma_wait3A_100 = arith.constant 0 : i32
        %dma_wait3A_101 = arith.constant 0 : i32
        %dma_wait3A_102 = tpu.memref_slice %arg12[%dma_wait3A_100, %dma_wait3A_101] : memref<10240x128xf32, #tpu.memory_space<vmem_shared>> -> memref<10240x128xf32, #tpu.memory_space<vmem_shared>>
        tpu.wait_indirect_dma semaphore(%arg16 : memref<!tpu.dma_semaphore, #tpu.memory_space<semaphore_mem>>) src(%arg11 : memref<128x128xf32, #tpu.memory_space<vmem>>) dst(%dma_wait3A_102 : memref<10240x128xf32, #tpu.memory_space<vmem_shared>>)
      } else {
      }
      %add3A_74 = arith.constant 1 : i32
      %add3A_75 = arith.addi %mul3A_68, %add3A_74 : i32
      %mul3A_76 = arith.constant 128 : i32
      %mul3A_77 = arith.muli %add3A_75, %mul3A_76 : i32
      %add3A_78 = arith.addi %mul3A_10, %mul3A_77 : i32
      "tpu.region"() ({
        %run_scoped3A = tpu.sem_alloc : memref<!tpu.dma_semaphore, #tpu.memory_space<semaphore_mem>>
        %dma_start3A_100 = tpu.memref_slice %arg3[%add3A_78] : memref<327680xi32, #tpu.memory_space<hbm>> -> memref<128xi32, #tpu.memory_space<hbm>>
        %dma_start3A_101 = tpu.memref_slice %arg3[%add3A_78] : memref<327680xi32, #tpu.memory_space<hbm>> -> memref<128xi32, #tpu.memory_space<hbm>>
        tpu.enqueue_dma source(%dma_start3A_101 : memref<128xi32, #tpu.memory_space<hbm>>) target(%arg8 : memref<128xi32, #tpu.memory_space<vmem>>) target_semaphore(%run_scoped3A : memref<!tpu.dma_semaphore, #tpu.memory_space<semaphore_mem>>)
        %dma_wait3A_102 = tpu.memref_slice %arg3[%add3A_78] : memref<327680xi32, #tpu.memory_space<hbm>> -> memref<128xi32, #tpu.memory_space<hbm>>
        %dma_wait3A_103 = tpu.memref_slice %arg3[%add3A_78] : memref<327680xi32, #tpu.memory_space<hbm>> -> memref<128xi32, #tpu.memory_space<hbm>>
        tpu.wait_dma2 semaphore(%run_scoped3A : memref<!tpu.dma_semaphore, #tpu.memory_space<semaphore_mem>>) src(%dma_wait3A_103 : memref<128xi32, #tpu.memory_space<hbm>>) dst(%arg8 : memref<128xi32, #tpu.memory_space<vmem>>)
        tpu.yield
      }) : () -> ()
      %mul3A_79 = arith.constant 128 : i32
      %mul3A_80 = arith.muli %add3A_75, %mul3A_79 : i32
      %add3A_81 = arith.addi %mul3A_10, %mul3A_80 : i32
      "tpu.region"() ({
        %run_scoped3A = tpu.sem_alloc : memref<!tpu.dma_semaphore, #tpu.memory_space<semaphore_mem>>
        %dma_start3A_100 = tpu.memref_slice %arg4[%add3A_81] : memref<327680xi32, #tpu.memory_space<hbm>> -> memref<128xi32, #tpu.memory_space<hbm>>
        %dma_start3A_101 = tpu.memref_slice %arg4[%add3A_81] : memref<327680xi32, #tpu.memory_space<hbm>> -> memref<128xi32, #tpu.memory_space<hbm>>
        tpu.enqueue_dma source(%dma_start3A_101 : memref<128xi32, #tpu.memory_space<hbm>>) target(%arg9 : memref<128xi32, #tpu.memory_space<vmem>>) target_semaphore(%run_scoped3A : memref<!tpu.dma_semaphore, #tpu.memory_space<semaphore_mem>>)
        %dma_wait3A_102 = tpu.memref_slice %arg4[%add3A_81] : memref<327680xi32, #tpu.memory_space<hbm>> -> memref<128xi32, #tpu.memory_space<hbm>>
        %dma_wait3A_103 = tpu.memref_slice %arg4[%add3A_81] : memref<327680xi32, #tpu.memory_space<hbm>> -> memref<128xi32, #tpu.memory_space<hbm>>
        tpu.wait_dma2 semaphore(%run_scoped3A : memref<!tpu.dma_semaphore, #tpu.memory_space<semaphore_mem>>) src(%dma_wait3A_103 : memref<128xi32, #tpu.memory_space<hbm>>) dst(%arg9 : memref<128xi32, #tpu.memory_space<vmem>>)
        tpu.yield
      }) : () -> ()
      %dma_start3A = arith.constant 0 : i32
      %dma_start3A_82 = arith.constant 0 : i32
      %dma_start3A_83 = tpu.memref_slice %arg2[%dma_start3A, %dma_start3A_82] : memref<10000x128xf32, #tpu.memory_space<hbm>> -> memref<10000x128xf32, #tpu.memory_space<hbm>>
      tpu.enqueue_indirect_dma source(%dma_start3A_83 : memref<10000x128xf32, #tpu.memory_space<hbm>>) target(%arg11 : memref<128x128xf32, #tpu.memory_space<vmem>>) offsets(%arg8 : memref<128xi32, #tpu.memory_space<vmem>>) semaphore(%arg14 : memref<!tpu.dma_semaphore, #tpu.memory_space<semaphore_mem>>)
      %dma_wait3A = arith.constant 0 : i32
      %dma_wait3A_84 = arith.constant 0 : i32
      %dma_wait3A_85 = tpu.memref_slice %arg2[%dma_wait3A, %dma_wait3A_84] : memref<10000x128xf32, #tpu.memory_space<hbm>> -> memref<10000x128xf32, #tpu.memory_space<hbm>>
      tpu.wait_indirect_dma semaphore(%arg13 : memref<!tpu.dma_semaphore, #tpu.memory_space<semaphore_mem>>) src(%dma_wait3A_85 : memref<10000x128xf32, #tpu.memory_space<hbm>>) dst(%arg10 : memref<128x128xf32, #tpu.memory_space<vmem>>)
      %dma_start3A_86 = arith.constant 0 : i32
      %dma_start3A_87 = arith.constant 0 : i32
      %dma_start3A_88 = tpu.memref_slice %arg12[%dma_start3A_86, %dma_start3A_87] : memref<10240x128xf32, #tpu.memory_space<vmem_shared>> -> memref<10240x128xf32, #tpu.memory_space<vmem_shared>>
      tpu.enqueue_indirect_dma source(%arg10 : memref<128x128xf32, #tpu.memory_space<vmem>>) target(%dma_start3A_88 : memref<10240x128xf32, #tpu.memory_space<vmem_shared>>) offsets(%arg7 : memref<128xi32, #tpu.memory_space<vmem>>) semaphore(%arg15 : memref<!tpu.dma_semaphore, #tpu.memory_space<semaphore_mem>>) {add = true}
      %add3A_89 = arith.constant 2 : i32
      %add3A_90 = arith.addi %mul3A_68, %add3A_89 : i32
      %lt3A = arith.cmpi slt, %add3A_90, %select_n3A : i32
      %convert_element_type3A_91 = arith.extui %lt3A : i1 to i32
      %cond3A_92 = arith.constant 0 : i32
      %cond3A_93 = arith.cmpi ne, %convert_element_type3A_91, %cond3A_92 : i32
      scf.if %cond3A_93 {
        %dma_wait3A_100 = arith.constant 0 : i32
        %dma_wait3A_101 = arith.constant 0 : i32
        %dma_wait3A_102 = tpu.memref_slice %arg12[%dma_wait3A_100, %dma_wait3A_101] : memref<10240x128xf32, #tpu.memory_space<vmem_shared>> -> memref<10240x128xf32, #tpu.memory_space<vmem_shared>>
        tpu.wait_indirect_dma semaphore(%arg15 : memref<!tpu.dma_semaphore, #tpu.memory_space<semaphore_mem>>) src(%arg10 : memref<128x128xf32, #tpu.memory_space<vmem>>) dst(%dma_wait3A_102 : memref<10240x128xf32, #tpu.memory_space<vmem_shared>>)
        %add3A_103 = arith.constant 2 : i32
        %add3A_104 = arith.addi %mul3A_68, %add3A_103 : i32
        %mul3A_105 = arith.constant 128 : i32
        %mul3A_106 = arith.muli %add3A_104, %mul3A_105 : i32
        %add3A_107 = arith.addi %mul3A_10, %mul3A_106 : i32
        "tpu.region"() ({
          %run_scoped3A = tpu.sem_alloc : memref<!tpu.dma_semaphore, #tpu.memory_space<semaphore_mem>>
          %dma_start3A_114 = tpu.memref_slice %arg3[%add3A_107] : memref<327680xi32, #tpu.memory_space<hbm>> -> memref<128xi32, #tpu.memory_space<hbm>>
          %dma_start3A_115 = tpu.memref_slice %arg3[%add3A_107] : memref<327680xi32, #tpu.memory_space<hbm>> -> memref<128xi32, #tpu.memory_space<hbm>>
          tpu.enqueue_dma source(%dma_start3A_115 : memref<128xi32, #tpu.memory_space<hbm>>) target(%arg6 : memref<128xi32, #tpu.memory_space<vmem>>) target_semaphore(%run_scoped3A : memref<!tpu.dma_semaphore, #tpu.memory_space<semaphore_mem>>)
          %dma_wait3A_116 = tpu.memref_slice %arg3[%add3A_107] : memref<327680xi32, #tpu.memory_space<hbm>> -> memref<128xi32, #tpu.memory_space<hbm>>
          %dma_wait3A_117 = tpu.memref_slice %arg3[%add3A_107] : memref<327680xi32, #tpu.memory_space<hbm>> -> memref<128xi32, #tpu.memory_space<hbm>>
          tpu.wait_dma2 semaphore(%run_scoped3A : memref<!tpu.dma_semaphore, #tpu.memory_space<semaphore_mem>>) src(%dma_wait3A_117 : memref<128xi32, #tpu.memory_space<hbm>>) dst(%arg6 : memref<128xi32, #tpu.memory_space<vmem>>)
          tpu.yield
        }) : () -> ()
        %mul3A_108 = arith.constant 128 : i32
        %mul3A_109 = arith.muli %add3A_104, %mul3A_108 : i32
        %add3A_110 = arith.addi %mul3A_10, %mul3A_109 : i32
        "tpu.region"() ({
          %run_scoped3A = tpu.sem_alloc : memref<!tpu.dma_semaphore, #tpu.memory_space<semaphore_mem>>
          %dma_start3A_114 = tpu.memref_slice %arg4[%add3A_110] : memref<327680xi32, #tpu.memory_space<hbm>> -> memref<128xi32, #tpu.memory_space<hbm>>
          %dma_start3A_115 = tpu.memref_slice %arg4[%add3A_110] : memref<327680xi32, #tpu.memory_space<hbm>> -> memref<128xi32, #tpu.memory_space<hbm>>
          tpu.enqueue_dma source(%dma_start3A_115 : memref<128xi32, #tpu.memory_space<hbm>>) target(%arg7 : memref<128xi32, #tpu.memory_space<vmem>>) target_semaphore(%run_scoped3A : memref<!tpu.dma_semaphore, #tpu.memory_space<semaphore_mem>>)
          %dma_wait3A_116 = tpu.memref_slice %arg4[%add3A_110] : memref<327680xi32, #tpu.memory_space<hbm>> -> memref<128xi32, #tpu.memory_space<hbm>>
          %dma_wait3A_117 = tpu.memref_slice %arg4[%add3A_110] : memref<327680xi32, #tpu.memory_space<hbm>> -> memref<128xi32, #tpu.memory_space<hbm>>
          tpu.wait_dma2 semaphore(%run_scoped3A : memref<!tpu.dma_semaphore, #tpu.memory_space<semaphore_mem>>) src(%dma_wait3A_117 : memref<128xi32, #tpu.memory_space<hbm>>) dst(%arg7 : memref<128xi32, #tpu.memory_space<vmem>>)
          tpu.yield
        }) : () -> ()
        %dma_start3A_111 = arith.constant 0 : i32
        %dma_start3A_112 = arith.constant 0 : i32
        %dma_start3A_113 = tpu.memref_slice %arg2[%dma_start3A_111, %dma_start3A_112] : memref<10000x128xf32, #tpu.memory_space<hbm>> -> memref<10000x128xf32, #tpu.memory_space<hbm>>
        tpu.enqueue_indirect_dma source(%dma_start3A_113 : memref<10000x128xf32, #tpu.memory_space<hbm>>) target(%arg10 : memref<128x128xf32, #tpu.memory_space<vmem>>) offsets(%arg6 : memref<128xi32, #tpu.memory_space<vmem>>) semaphore(%arg13 : memref<!tpu.dma_semaphore, #tpu.memory_space<semaphore_mem>>)
      } else {
      }
      %dma_wait3A_94 = arith.constant 0 : i32
      %dma_wait3A_95 = arith.constant 0 : i32
      %dma_wait3A_96 = tpu.memref_slice %arg2[%dma_wait3A_94, %dma_wait3A_95] : memref<10000x128xf32, #tpu.memory_space<hbm>> -> memref<10000x128xf32, #tpu.memory_space<hbm>>
      tpu.wait_indirect_dma semaphore(%arg14 : memref<!tpu.dma_semaphore, #tpu.memory_space<semaphore_mem>>) src(%dma_wait3A_96 : memref<10000x128xf32, #tpu.memory_space<hbm>>) dst(%arg11 : memref<128x128xf32, #tpu.memory_space<vmem>>)
      %dma_start3A_97 = arith.constant 0 : i32
      %dma_start3A_98 = arith.constant 0 : i32
      %dma_start3A_99 = tpu.memref_slice %arg12[%dma_start3A_97, %dma_start3A_98] : memref<10240x128xf32, #tpu.memory_space<vmem_shared>> -> memref<10240x128xf32, #tpu.memory_space<vmem_shared>>
      tpu.enqueue_indirect_dma source(%arg11 : memref<128x128xf32, #tpu.memory_space<vmem>>) target(%dma_start3A_99 : memref<10240x128xf32, #tpu.memory_space<vmem_shared>>) offsets(%arg9 : memref<128xi32, #tpu.memory_space<vmem>>) semaphore(%arg16 : memref<!tpu.dma_semaphore, #tpu.memory_space<semaphore_mem>>) {add = true}
    }
    %while3A_56 = arith.constant 1 : i32
    scf.for %while3A_66 = %while3A_54 to %while3A_50 step %while3A_56  : i32 {
      %mul3A_67 = arith.constant 2 : i32
      %mul3A_68 = arith.muli %mul3A_67, %while3A_66 : i32
      %gt3A_69 = arith.constant 0 : i32
      %gt3A_70 = arith.cmpi sgt, %while3A_66, %gt3A_69 : i32
      %convert_element_type3A_71 = arith.extui %gt3A_70 : i1 to i32
      %cond3A_72 = arith.constant 0 : i32
      %cond3A_73 = arith.cmpi ne, %convert_element_type3A_71, %cond3A_72 : i32
      scf.if %cond3A_73 {
        %dma_wait3A_100 = arith.constant 0 : i32
        %dma_wait3A_101 = arith.constant 0 : i32
        %dma_wait3A_102 = tpu.memref_slice %arg12[%dma_wait3A_100, %dma_wait3A_101] : memref<10240x128xf32, #tpu.memory_space<vmem_shared>> -> memref<10240x128xf32, #tpu.memory_space<vmem_shared>>
        tpu.wait_indirect_dma semaphore(%arg16 : memref<!tpu.dma_semaphore, #tpu.memory_space<semaphore_mem>>) src(%arg11 : memref<128x128xf32, #tpu.memory_space<vmem>>) dst(%dma_wait3A_102 : memref<10240x128xf32, #tpu.memory_space<vmem_shared>>)
      } else {
      }
      %add3A_74 = arith.constant 1 : i32
      %add3A_75 = arith.addi %mul3A_68, %add3A_74 : i32
      %mul3A_76 = arith.constant 128 : i32
      %mul3A_77 = arith.muli %add3A_75, %mul3A_76 : i32
      %add3A_78 = arith.addi %mul3A_10, %mul3A_77 : i32
      "tpu.region"() ({
        %run_scoped3A = tpu.sem_alloc : memref<!tpu.dma_semaphore, #tpu.memory_space<semaphore_mem>>
        %dma_start3A_100 = tpu.memref_slice %arg3[%add3A_78] : memref<327680xi32, #tpu.memory_space<hbm>> -> memref<128xi32, #tpu.memory_space<hbm>>
        %dma_start3A_101 = tpu.memref_slice %arg3[%add3A_78] : memref<327680xi32, #tpu.memory_space<hbm>> -> memref<128xi32, #tpu.memory_space<hbm>>
        tpu.enqueue_dma source(%dma_start3A_101 : memref<128xi32, #tpu.memory_space<hbm>>) target(%arg8 : memref<128xi32, #tpu.memory_space<vmem>>) target_semaphore(%run_scoped3A : memref<!tpu.dma_semaphore, #tpu.memory_space<semaphore_mem>>)
        %dma_wait3A_102 = tpu.memref_slice %arg3[%add3A_78] : memref<327680xi32, #tpu.memory_space<hbm>> -> memref<128xi32, #tpu.memory_space<hbm>>
        %dma_wait3A_103 = tpu.memref_slice %arg3[%add3A_78] : memref<327680xi32, #tpu.memory_space<hbm>> -> memref<128xi32, #tpu.memory_space<hbm>>
        tpu.wait_dma2 semaphore(%run_scoped3A : memref<!tpu.dma_semaphore, #tpu.memory_space<semaphore_mem>>) src(%dma_wait3A_103 : memref<128xi32, #tpu.memory_space<hbm>>) dst(%arg8 : memref<128xi32, #tpu.memory_space<vmem>>)
        tpu.yield
      }) : () -> ()
      %mul3A_79 = arith.constant 128 : i32
      %mul3A_80 = arith.muli %add3A_75, %mul3A_79 : i32
      %add3A_81 = arith.addi %mul3A_10, %mul3A_80 : i32
      "tpu.region"() ({
        %run_scoped3A = tpu.sem_alloc : memref<!tpu.dma_semaphore, #tpu.memory_space<semaphore_mem>>
        %dma_start3A_100 = tpu.memref_slice %arg4[%add3A_81] : memref<327680xi32, #tpu.memory_space<hbm>> -> memref<128xi32, #tpu.memory_space<hbm>>
        %dma_start3A_101 = tpu.memref_slice %arg4[%add3A_81] : memref<327680xi32, #tpu.memory_space<hbm>> -> memref<128xi32, #tpu.memory_space<hbm>>
        tpu.enqueue_dma source(%dma_start3A_101 : memref<128xi32, #tpu.memory_space<hbm>>) target(%arg9 : memref<128xi32, #tpu.memory_space<vmem>>) target_semaphore(%run_scoped3A : memref<!tpu.dma_semaphore, #tpu.memory_space<semaphore_mem>>)
        %dma_wait3A_102 = tpu.memref_slice %arg4[%add3A_81] : memref<327680xi32, #tpu.memory_space<hbm>> -> memref<128xi32, #tpu.memory_space<hbm>>
        %dma_wait3A_103 = tpu.memref_slice %arg4[%add3A_81] : memref<327680xi32, #tpu.memory_space<hbm>> -> memref<128xi32, #tpu.memory_space<hbm>>
        tpu.wait_dma2 semaphore(%run_scoped3A : memref<!tpu.dma_semaphore, #tpu.memory_space<semaphore_mem>>) src(%dma_wait3A_103 : memref<128xi32, #tpu.memory_space<hbm>>) dst(%arg9 : memref<128xi32, #tpu.memory_space<vmem>>)
        tpu.yield
      }) : () -> ()
      %dma_start3A = arith.constant 0 : i32
      %dma_start3A_82 = arith.constant 0 : i32
      %dma_start3A_83 = tpu.memref_slice %arg2[%dma_start3A, %dma_start3A_82] : memref<10000x128xf32, #tpu.memory_space<hbm>> -> memref<10000x128xf32, #tpu.memory_space<hbm>>
      tpu.enqueue_indirect_dma source(%dma_start3A_83 : memref<10000x128xf32, #tpu.memory_space<hbm>>) target(%arg11 : memref<128x128xf32, #tpu.memory_space<vmem>>) offsets(%arg8 : memref<128xi32, #tpu.memory_space<vmem>>) semaphore(%arg14 : memref<!tpu.dma_semaphore, #tpu.memory_space<semaphore_mem>>)
      %dma_wait3A = arith.constant 0 : i32
      %dma_wait3A_84 = arith.constant 0 : i32
      %dma_wait3A_85 = tpu.memref_slice %arg2[%dma_wait3A, %dma_wait3A_84] : memref<10000x128xf32, #tpu.memory_space<hbm>> -> memref<10000x128xf32, #tpu.memory_space<hbm>>
      tpu.wait_indirect_dma semaphore(%arg13 : memref<!tpu.dma_semaphore, #tpu.memory_space<semaphore_mem>>) src(%dma_wait3A_85 : memref<10000x128xf32, #tpu.memory_space<hbm>>) dst(%arg10 : memref<128x128xf32, #tpu.memory_space<vmem>>)
      %dma_start3A_86 = arith.constant 0 : i32
      %dma_start3A_87 = arith.constant 0 : i32
      %dma_start3A_88 = tpu.memref_slice %arg12[%dma_start3A_86, %dma_start3A_87] : memref<10240x128xf32, #tpu.memory_space<vmem_shared>> -> memref<10240x128xf32, #tpu.memory_space<vmem_shared>>
      tpu.enqueue_indirect_dma source(%arg10 : memref<128x128xf32, #tpu.memory_space<vmem>>) target(%dma_start3A_88 : memref<10240x128xf32, #tpu.memory_space<vmem_shared>>) offsets(%arg7 : memref<128xi32, #tpu.memory_space<vmem>>) semaphore(%arg15 : memref<!tpu.dma_semaphore, #tpu.memory_space<semaphore_mem>>) {add = true}
      %add3A_89 = arith.constant 2 : i32
      %add3A_90 = arith.addi %mul3A_68, %add3A_89 : i32
      %lt3A = arith.cmpi slt, %add3A_90, %select_n3A : i32
      %convert_element_type3A_91 = arith.extui %lt3A : i1 to i32
      %cond3A_92 = arith.constant 0 : i32
      %cond3A_93 = arith.cmpi ne, %convert_element_type3A_91, %cond3A_92 : i32
      scf.if %cond3A_93 {
        %dma_wait3A_100 = arith.constant 0 : i32
        %dma_wait3A_101 = arith.constant 0 : i32
        %dma_wait3A_102 = tpu.memref_slice %arg12[%dma_wait3A_100, %dma_wait3A_101] : memref<10240x128xf32, #tpu.memory_space<vmem_shared>> -> memref<10240x128xf32, #tpu.memory_space<vmem_shared>>
        tpu.wait_indirect_dma semaphore(%arg15 : memref<!tpu.dma_semaphore, #tpu.memory_space<semaphore_mem>>) src(%arg10 : memref<128x128xf32, #tpu.memory_space<vmem>>) dst(%dma_wait3A_102 : memref<10240x128xf32, #tpu.memory_space<vmem_shared>>)
        %add3A_103 = arith.constant 2 : i32
        %add3A_104 = arith.addi %mul3A_68, %add3A_103 : i32
        %mul3A_105 = arith.constant 128 : i32
        %mul3A_106 = arith.muli %add3A_104, %mul3A_105 : i32
        %add3A_107 = arith.addi %mul3A_10, %mul3A_106 : i32
        "tpu.region"() ({
          %run_scoped3A = tpu.sem_alloc : memref<!tpu.dma_semaphore, #tpu.memory_space<semaphore_mem>>
          %dma_start3A_114 = tpu.memref_slice %arg3[%add3A_107] : memref<327680xi32, #tpu.memory_space<hbm>> -> memref<128xi32, #tpu.memory_space<hbm>>
          %dma_start3A_115 = tpu.memref_slice %arg3[%add3A_107] : memref<327680xi32, #tpu.memory_space<hbm>> -> memref<128xi32, #tpu.memory_space<hbm>>
          tpu.enqueue_dma source(%dma_start3A_115 : memref<128xi32, #tpu.memory_space<hbm>>) target(%arg6 : memref<128xi32, #tpu.memory_space<vmem>>) target_semaphore(%run_scoped3A : memref<!tpu.dma_semaphore, #tpu.memory_space<semaphore_mem>>)
          %dma_wait3A_116 = tpu.memref_slice %arg3[%add3A_107] : memref<327680xi32, #tpu.memory_space<hbm>> -> memref<128xi32, #tpu.memory_space<hbm>>
          %dma_wait3A_117 = tpu.memref_slice %arg3[%add3A_107] : memref<327680xi32, #tpu.memory_space<hbm>> -> memref<128xi32, #tpu.memory_space<hbm>>
          tpu.wait_dma2 semaphore(%run_scoped3A : memref<!tpu.dma_semaphore, #tpu.memory_space<semaphore_mem>>) src(%dma_wait3A_117 : memref<128xi32, #tpu.memory_space<hbm>>) dst(%arg6 : memref<128xi32, #tpu.memory_space<vmem>>)
          tpu.yield
        }) : () -> ()
        %mul3A_108 = arith.constant 128 : i32
        %mul3A_109 = arith.muli %add3A_104, %mul3A_108 : i32
        %add3A_110 = arith.addi %mul3A_10, %mul3A_109 : i32
        "tpu.region"() ({
          %run_scoped3A = tpu.sem_alloc : memref<!tpu.dma_semaphore, #tpu.memory_space<semaphore_mem>>
          %dma_start3A_114 = tpu.memref_slice %arg4[%add3A_110] : memref<327680xi32, #tpu.memory_space<hbm>> -> memref<128xi32, #tpu.memory_space<hbm>>
          %dma_start3A_115 = tpu.memref_slice %arg4[%add3A_110] : memref<327680xi32, #tpu.memory_space<hbm>> -> memref<128xi32, #tpu.memory_space<hbm>>
          tpu.enqueue_dma source(%dma_start3A_115 : memref<128xi32, #tpu.memory_space<hbm>>) target(%arg7 : memref<128xi32, #tpu.memory_space<vmem>>) target_semaphore(%run_scoped3A : memref<!tpu.dma_semaphore, #tpu.memory_space<semaphore_mem>>)
          %dma_wait3A_116 = tpu.memref_slice %arg4[%add3A_110] : memref<327680xi32, #tpu.memory_space<hbm>> -> memref<128xi32, #tpu.memory_space<hbm>>
          %dma_wait3A_117 = tpu.memref_slice %arg4[%add3A_110] : memref<327680xi32, #tpu.memory_space<hbm>> -> memref<128xi32, #tpu.memory_space<hbm>>
          tpu.wait_dma2 semaphore(%run_scoped3A : memref<!tpu.dma_semaphore, #tpu.memory_space<semaphore_mem>>) src(%dma_wait3A_117 : memref<128xi32, #tpu.memory_space<hbm>>) dst(%arg7 : memref<128xi32, #tpu.memory_space<vmem>>)
          tpu.yield
        }) : () -> ()
        %dma_start3A_111 = arith.constant 0 : i32
        %dma_start3A_112 = arith.constant 0 : i32
        %dma_start3A_113 = tpu.memref_slice %arg2[%dma_start3A_111, %dma_start3A_112] : memref<10000x128xf32, #tpu.memory_space<hbm>> -> memref<10000x128xf32, #tpu.memory_space<hbm>>
        tpu.enqueue_indirect_dma source(%dma_start3A_113 : memref<10000x128xf32, #tpu.memory_space<hbm>>) target(%arg10 : memref<128x128xf32, #tpu.memory_space<vmem>>) offsets(%arg6 : memref<128xi32, #tpu.memory_space<vmem>>) semaphore(%arg13 : memref<!tpu.dma_semaphore, #tpu.memory_space<semaphore_mem>>)
      } else {
      }
      %dma_wait3A_94 = arith.constant 0 : i32
      %dma_wait3A_95 = arith.constant 0 : i32
      %dma_wait3A_96 = tpu.memref_slice %arg2[%dma_wait3A_94, %dma_wait3A_95] : memref<10000x128xf32, #tpu.memory_space<hbm>> -> memref<10000x128xf32, #tpu.memory_space<hbm>>
      tpu.wait_indirect_dma semaphore(%arg14 : memref<!tpu.dma_semaphore, #tpu.memory_space<semaphore_mem>>) src(%dma_wait3A_96 : memref<10000x128xf32, #tpu.memory_space<hbm>>) dst(%arg11 : memref<128x128xf32, #tpu.memory_space<vmem>>)
      %dma_start3A_97 = arith.constant 0 : i32
      %dma_start3A_98 = arith.constant 0 : i32
      %dma_start3A_99 = tpu.memref_slice %arg12[%dma_start3A_97, %dma_start3A_98] : memref<10240x128xf32, #tpu.memory_space<vmem_shared>> -> memref<10240x128xf32, #tpu.memory_space<vmem_shared>>
      tpu.enqueue_indirect_dma source(%arg11 : memref<128x128xf32, #tpu.memory_space<vmem>>) target(%dma_start3A_99 : memref<10240x128xf32, #tpu.memory_space<vmem_shared>>) offsets(%arg9 : memref<128xi32, #tpu.memory_space<vmem>>) semaphore(%arg16 : memref<!tpu.dma_semaphore, #tpu.memory_space<semaphore_mem>>) {add = true}
    }
    %gt3A_57 = arith.constant 0 : i32
    %gt3A_58 = arith.cmpi sgt, %select_n3A, %gt3A_57 : i32
    %convert_element_type3A_59 = arith.extui %gt3A_58 : i1 to i32
    %cond3A_60 = arith.constant 0 : i32
    %cond3A_61 = arith.cmpi ne, %convert_element_type3A_59, %cond3A_60 : i32
    scf.if %cond3A_61 {
      %dma_wait3A = arith.constant 0 : i32
      %dma_wait3A_66 = arith.constant 0 : i32
      %dma_wait3A_67 = tpu.memref_slice %arg12[%dma_wait3A, %dma_wait3A_66] : memref<10240x128xf32, #tpu.memory_space<vmem_shared>> -> memref<10240x128xf32, #tpu.memory_space<vmem_shared>>
      tpu.wait_indirect_dma semaphore(%arg15 : memref<!tpu.dma_semaphore, #tpu.memory_space<semaphore_mem>>) src(%arg10 : memref<128x128xf32, #tpu.memory_space<vmem>>) dst(%dma_wait3A_67 : memref<10240x128xf32, #tpu.memory_space<vmem_shared>>)
      %dma_wait3A_68 = arith.constant 0 : i32
      %dma_wait3A_69 = arith.constant 0 : i32
      %dma_wait3A_70 = tpu.memref_slice %arg12[%dma_wait3A_68, %dma_wait3A_69] : memref<10240x128xf32, #tpu.memory_space<vmem_shared>> -> memref<10240x128xf32, #tpu.memory_space<vmem_shared>>
      tpu.wait_indirect_dma semaphore(%arg16 : memref<!tpu.dma_semaphore, #tpu.memory_space<semaphore_mem>>) src(%arg11 : memref<128x128xf32, #tpu.memory_space<vmem>>) dst(%dma_wait3A_70 : memref<10240x128xf32, #tpu.memory_space<vmem_shared>>)
    } else {
    }
    %barrier3A_62 = arith.constant 0 : index
    tpu.barrier barrier_id(%barrier3A_62)
    %mul3A_63 = arith.constant 10240 : i32
    %mul3A_64 = arith.muli %arg0, %mul3A_63 : i32
    %add3A_65 = arith.addi %mul3A_64, %mul3A_17 : i32
    "tpu.region"() ({
      %run_scoped3A = tpu.sem_alloc : memref<!tpu.dma_semaphore, #tpu.memory_space<semaphore_mem>>
      %dma_start3A = arith.constant 0 : i32
      %dma_start3A_66 = tpu.memref_slice %arg5[%add3A_65, %dma_start3A] : memref<20480x128xf32, #tpu.memory_space<hbm>> -> memref<640x128xf32, #tpu.memory_space<hbm>>
      %dma_start3A_67 = arith.constant 0 : i32
      %dma_start3A_68 = tpu.memref_slice %arg12[%mul3A_17, %dma_start3A_67] : memref<10240x128xf32, #tpu.memory_space<vmem_shared>> -> memref<640x128xf32, #tpu.memory_space<vmem_shared>>
      tpu.enqueue_dma source(%dma_start3A_68 : memref<640x128xf32, #tpu.memory_space<vmem_shared>>) target(%dma_start3A_66 : memref<640x128xf32, #tpu.memory_space<hbm>>) target_semaphore(%run_scoped3A : memref<!tpu.dma_semaphore, #tpu.memory_space<semaphore_mem>>)
      %dma_wait3A = arith.constant 0 : i32
      %dma_wait3A_69 = tpu.memref_slice %arg5[%add3A_65, %dma_wait3A] : memref<20480x128xf32, #tpu.memory_space<hbm>> -> memref<640x128xf32, #tpu.memory_space<hbm>>
      %dma_wait3A_70 = arith.constant 0 : i32
      %dma_wait3A_71 = tpu.memref_slice %arg12[%mul3A_17, %dma_wait3A_70] : memref<10240x128xf32, #tpu.memory_space<vmem_shared>> -> memref<640x128xf32, #tpu.memory_space<vmem_shared>>
      tpu.wait_dma2 semaphore(%run_scoped3A : memref<!tpu.dma_semaphore, #tpu.memory_space<semaphore_mem>>) src(%dma_wait3A_71 : memref<640x128xf32, #tpu.memory_space<vmem_shared>>) dst(%dma_wait3A_69 : memref<640x128xf32, #tpu.memory_space<hbm>>)
      tpu.yield
    }) : () -> ()
    return
  }
}

module attributes {stable_mosaic.version = 14 : i64} {
  func.func @_tc1_body(%arg0: i32, %arg1: memref<400x128xf32, #tpu.memory_space<vmem>>, %arg2: memref<128x128xf32, #tpu.memory_space<vmem>>, %arg3: memref<128x128xf32, #tpu.memory_space<vmem>>, %arg4: memref<1x128xf32, #tpu.memory_space<vmem>>, %arg5: memref<400x144xf32, #tpu.memory_space<vmem>>, %arg6: memref<400x128xf32, #tpu.memory_space<vmem>>) attributes {dimension_semantics = [#tpu.dimension_semantics<arbitrary>], iteration_bounds = array<i64: 25>, scalar_prefetch = 0 : i64, scratch_operands = 0 : i64, tpu.core_type = #tpu.core_type<tc>, window_params = [{transform_indices = @transform_0, window_bounds = array<i64: 400, 128>}, {pipeline_mode = #tpu.pipeline_mode<synchronous>, transform_indices = @transform_1, window_bounds = array<i64: 128, 128>}, {pipeline_mode = #tpu.pipeline_mode<synchronous>, transform_indices = @transform_2, window_bounds = array<i64: 128, 128>}, {pipeline_mode = #tpu.pipeline_mode<synchronous>, transform_indices = @transform_3, window_bounds = array<i64: 1, 128>}, {transform_indices = @transform_4, window_bounds = array<i64: 400, 144>}, {transform_indices = @transform_5, window_bounds = array<i64: 400, 128>}]} {
    %get3A = arith.constant 0 : index
    %get3A_0 = arith.constant 0 : index
    %get3A_1 = vector.load %arg1[%get3A, %get3A_0] : memref<400x128xf32, #tpu.memory_space<vmem>>, vector<400x128xf32>
    %get3A_2 = arith.constant 0 : index
    %get3A_3 = arith.constant 0 : index
    %get3A_4 = vector.load %arg2[%get3A_2, %get3A_3] : memref<128x128xf32, #tpu.memory_space<vmem>>, vector<128x128xf32>
    %dot_general3A = arith.constant dense<0.000000e+00> : vector<400x128xf32>
    %dot_general3A_5 = tpu.matmul %get3A_1, %get3A_4, %dot_general3A {dimension_numbers = #tpu.dot_dimension_numbers<[1], [1], [0], [0], [0, 0, 1, 0], [], []>, transpose_lhs_hint = false} : vector<400x128xf32>, vector<128x128xf32>, vector<400x128xf32> -> vector<400x128xf32>
    %broadcast_in_dim3A = arith.constant 1.000000e+00 : f32
    %broadcast_in_dim3A_6 = vector.broadcast %broadcast_in_dim3A : f32 to vector<400x1xf32>
    %broadcast_in_dim3A_7 = arith.constant 0.000000e+00 : f32
    %broadcast_in_dim3A_8 = vector.broadcast %broadcast_in_dim3A_7 : f32 to vector<400x15xf32>
    %concatenate3A = tpu.concatenate %dot_general3A_5, %broadcast_in_dim3A_6, %broadcast_in_dim3A_8 in 1 : vector<400x128xf32>, vector<400x1xf32>, vector<400x15xf32> -> vector<400x144xf32>
    %swap3A = arith.constant 0 : index
    %swap3A_9 = arith.constant 0 : index
    %swap3A_10 = vector.load %arg5[%swap3A, %swap3A_9] : memref<400x144xf32, #tpu.memory_space<vmem>>, vector<400x144xf32>
    tpu.vector_store %arg5[%swap3A, %swap3A_9], %concatenate3A {strides = array<i32>} : memref<400x144xf32, #tpu.memory_space<vmem>>, vector<400x144xf32>,
    %get3A_11 = arith.constant 0 : index
    %get3A_12 = arith.constant 0 : index
    %get3A_13 = vector.load %arg3[%get3A_11, %get3A_12] : memref<128x128xf32, #tpu.memory_space<vmem>>, vector<128x128xf32>
    %dot_general3A_14 = arith.constant dense<0.000000e+00> : vector<400x128xf32>
    %dot_general3A_15 = tpu.matmul %get3A_1, %get3A_13, %dot_general3A_14 {dimension_numbers = #tpu.dot_dimension_numbers<[1], [1], [0], [0], [0, 0, 1, 0], [], []>, transpose_lhs_hint = false} : vector<400x128xf32>, vector<128x128xf32>, vector<400x128xf32> -> vector<400x128xf32>
    %get3A_16 = arith.constant 0 : index
    %get3A_17 = arith.constant 0 : index
    %get3A_18 = vector.load %arg4[%get3A_16, %get3A_17] : memref<1x128xf32, #tpu.memory_space<vmem>>, vector<1x128xf32>
    %add3A = vector.broadcast %get3A_18 : vector<1x128xf32> to vector<400x128xf32>
    %add3A_19 = arith.addf %dot_general3A_15, %add3A : vector<400x128xf32>
    %swap3A_20 = arith.constant 0 : index
    %swap3A_21 = arith.constant 0 : index
    %swap3A_22 = vector.load %arg6[%swap3A_20, %swap3A_21] : memref<400x128xf32, #tpu.memory_space<vmem>>, vector<400x128xf32>
    tpu.vector_store %arg6[%swap3A_20, %swap3A_21], %add3A_19 {strides = array<i32>} : memref<400x128xf32, #tpu.memory_space<vmem>>, vector<400x128xf32>,
    return
  }
  func.func @transform_0(%arg0: i32) -> (i32, i32) {
    %c0_i32 = arith.constant 0 : i32
    %c0_i32_0 = arith.constant 0 : i32
    return %arg0, %c0_i32 : i32, i32
  }
  func.func @transform_1(%arg0: i32) -> (i32, i32) {
    %c0_i32 = arith.constant 0 : i32
    %c0_i32_0 = arith.constant 0 : i32
    %c0_i32_1 = arith.constant 0 : i32
    return %c0_i32, %c0_i32_0 : i32, i32
  }
  func.func @transform_2(%arg0: i32) -> (i32, i32) {
    %c0_i32 = arith.constant 0 : i32
    %c0_i32_0 = arith.constant 0 : i32
    %c0_i32_1 = arith.constant 0 : i32
    return %c0_i32, %c0_i32_0 : i32, i32
  }
  func.func @transform_3(%arg0: i32) -> (i32, i32) {
    %c0_i32 = arith.constant 0 : i32
    %c0_i32_0 = arith.constant 0 : i32
    %c0_i32_1 = arith.constant 0 : i32
    return %c0_i32, %c0_i32_0 : i32, i32
  }
  func.func @transform_4(%arg0: i32) -> (i32, i32) {
    %c0_i32 = arith.constant 0 : i32
    %c0_i32_0 = arith.constant 0 : i32
    return %arg0, %c0_i32 : i32, i32
  }
  func.func @transform_5(%arg0: i32) -> (i32, i32) {
    %c0_i32 = arith.constant 0 : i32
    %c0_i32_0 = arith.constant 0 : i32
    return %arg0, %c0_i32 : i32, i32
  }
}

module attributes {stable_mosaic.version = 14 : i64} {
  func.func @_tc2_body(%arg0: i32, %arg1: memref<2x400x144xf32, #tpu.memory_space<vmem>>, %arg2: memref<400x128xf32, #tpu.memory_space<vmem>>, %arg3: memref<128x128xf32, #tpu.memory_space<vmem>>, %arg4: memref<128x128xf32, #tpu.memory_space<vmem>>, %arg5: memref<1x128xf32, #tpu.memory_space<vmem>>, %arg6: memref<400x128xf32, #tpu.memory_space<vmem>>, %arg7: memref<400x128xf32, #tpu.memory_space<vmem>>) attributes {dimension_semantics = [#tpu.dimension_semantics<arbitrary>], iteration_bounds = array<i64: 25>, scalar_prefetch = 0 : i64, scratch_operands = 0 : i64, tpu.core_type = #tpu.core_type<tc>, window_params = [{transform_indices = @transform_0, window_bounds = array<i64: 2, 400, 144>}, {transform_indices = @transform_1, window_bounds = array<i64: 400, 128>}, {pipeline_mode = #tpu.pipeline_mode<synchronous>, transform_indices = @transform_2, window_bounds = array<i64: 128, 128>}, {pipeline_mode = #tpu.pipeline_mode<synchronous>, transform_indices = @transform_3, window_bounds = array<i64: 128, 128>}, {pipeline_mode = #tpu.pipeline_mode<synchronous>, transform_indices = @transform_4, window_bounds = array<i64: 1, 128>}, {transform_indices = @transform_5, window_bounds = array<i64: 400, 128>}, {transform_indices = @transform_6, window_bounds = array<i64: 400, 128>}]} {
    %get3A = arith.constant 0 : index
    %get3A_0 = arith.constant 0 : index
    %get3A_1 = arith.constant 0 : index
    %get3A_2 = vector.load %arg1[%get3A, %get3A_0, %get3A_1] : memref<2x400x144xf32, #tpu.memory_space<vmem>>, vector<1x400x128xf32>
    %get3A_3 = vector.shape_cast %get3A_2 : vector<1x400x128xf32> to vector<400x128xf32>
    %get3A_4 = arith.constant 1 : index
    %get3A_5 = arith.constant 0 : index
    %get3A_6 = arith.constant 0 : index
    %get3A_7 = vector.load %arg1[%get3A_4, %get3A_5, %get3A_6] : memref<2x400x144xf32, #tpu.memory_space<vmem>>, vector<1x400x128xf32>
    %get3A_8 = vector.shape_cast %get3A_7 : vector<1x400x128xf32> to vector<400x128xf32>
    %add3A = arith.addf %get3A_3, %get3A_8 : vector<400x128xf32>
    %get3A_9 = arith.constant 0 : index
    %get3A_10 = arith.constant 0 : index
    %get3A_11 = arith.constant 128 : index
    %get3A_12 = vector.load %arg1[%get3A_9, %get3A_10, %get3A_11] : memref<2x400x144xf32, #tpu.memory_space<vmem>>, vector<1x400x1xf32>
    %get3A_13 = vector.shape_cast %get3A_12 : vector<1x400x1xf32> to vector<400x1xf32>
    %get3A_14 = arith.constant 1 : index
    %get3A_15 = arith.constant 0 : index
    %get3A_16 = arith.constant 128 : index
    %get3A_17 = vector.load %arg1[%get3A_14, %get3A_15, %get3A_16] : memref<2x400x144xf32, #tpu.memory_space<vmem>>, vector<1x400x1xf32>
    %get3A_18 = vector.shape_cast %get3A_17 : vector<1x400x1xf32> to vector<400x1xf32>
    %add3A_19 = arith.addf %get3A_13, %get3A_18 : vector<400x1xf32>
    %max3A = arith.constant 1.000000e+00 : f32
    %max3A_20 = vector.broadcast %max3A : f32 to vector<400x1xf32>
    %max3A_21 = arith.maximumf %add3A_19, %max3A_20 : vector<400x1xf32>
    %div3A = vector.broadcast %max3A_21 : vector<400x1xf32> to vector<400x128xf32>
    %div3A_22 = arith.divf %add3A, %div3A : vector<400x128xf32>
    %get3A_23 = arith.constant 0 : index
    %get3A_24 = arith.constant 0 : index
    %get3A_25 = vector.load %arg2[%get3A_23, %get3A_24] : memref<400x128xf32, #tpu.memory_space<vmem>>, vector<400x128xf32>
    %add3A_26 = arith.addf %div3A_22, %get3A_25 : vector<400x128xf32>
    %max3A_27 = arith.constant 0.000000e+00 : f32
    %max3A_28 = vector.broadcast %max3A_27 : f32 to vector<400x128xf32>
    %max3A_29 = arith.maximumf %add3A_26, %max3A_28 : vector<400x128xf32>
    %get3A_30 = arith.constant 0 : index
    %get3A_31 = arith.constant 0 : index
    %get3A_32 = vector.load %arg3[%get3A_30, %get3A_31] : memref<128x128xf32, #tpu.memory_space<vmem>>, vector<128x128xf32>
    %dot_general3A = arith.constant dense<0.000000e+00> : vector<400x128xf32>
    %dot_general3A_33 = tpu.matmul %max3A_29, %get3A_32, %dot_general3A {dimension_numbers = #tpu.dot_dimension_numbers<[1], [1], [0], [0], [0, 0, 1, 0], [], []>, transpose_lhs_hint = false} : vector<400x128xf32>, vector<128x128xf32>, vector<400x128xf32> -> vector<400x128xf32>
    %swap3A = arith.constant 0 : index
    %swap3A_34 = arith.constant 0 : index
    %swap3A_35 = vector.load %arg6[%swap3A, %swap3A_34] : memref<400x128xf32, #tpu.memory_space<vmem>>, vector<400x128xf32>
    tpu.vector_store %arg6[%swap3A, %swap3A_34], %dot_general3A_33 {strides = array<i32>} : memref<400x128xf32, #tpu.memory_space<vmem>>, vector<400x128xf32>,
    %get3A_36 = arith.constant 0 : index
    %get3A_37 = arith.constant 0 : index
    %get3A_38 = vector.load %arg4[%get3A_36, %get3A_37] : memref<128x128xf32, #tpu.memory_space<vmem>>, vector<128x128xf32>
    %dot_general3A_39 = arith.constant dense<0.000000e+00> : vector<400x128xf32>
    %dot_general3A_40 = tpu.matmul %max3A_29, %get3A_38, %dot_general3A_39 {dimension_numbers = #tpu.dot_dimension_numbers<[1], [1], [0], [0], [0, 0, 1, 0], [], []>, transpose_lhs_hint = false} : vector<400x128xf32>, vector<128x128xf32>, vector<400x128xf32> -> vector<400x128xf32>
    %get3A_41 = arith.constant 0 : index
    %get3A_42 = arith.constant 0 : index
    %get3A_43 = vector.load %arg5[%get3A_41, %get3A_42] : memref<1x128xf32, #tpu.memory_space<vmem>>, vector<1x128xf32>
    %add3A_44 = vector.broadcast %get3A_43 : vector<1x128xf32> to vector<400x128xf32>
    %add3A_45 = arith.addf %dot_general3A_40, %add3A_44 : vector<400x128xf32>
    %swap3A_46 = arith.constant 0 : index
    %swap3A_47 = arith.constant 0 : index
    %swap3A_48 = vector.load %arg7[%swap3A_46, %swap3A_47] : memref<400x128xf32, #tpu.memory_space<vmem>>, vector<400x128xf32>
    tpu.vector_store %arg7[%swap3A_46, %swap3A_47], %add3A_45 {strides = array<i32>} : memref<400x128xf32, #tpu.memory_space<vmem>>, vector<400x128xf32>,
    return
  }
  func.func @transform_0(%arg0: i32) -> (i32, i32, i32) {
    %c0_i32 = arith.constant 0 : i32
    %c0_i32_0 = arith.constant 0 : i32
    %c0_i32_1 = arith.constant 0 : i32
    return %c0_i32, %arg0, %c0_i32_0 : i32, i32, i32
  }
  func.func @transform_1(%arg0: i32) -> (i32, i32) {
    %c0_i32 = arith.constant 0 : i32
    %c0_i32_0 = arith.constant 0 : i32
    return %arg0, %c0_i32 : i32, i32
  }
  func.func @transform_2(%arg0: i32) -> (i32, i32) {
    %c0_i32 = arith.constant 0 : i32
    %c0_i32_0 = arith.constant 0 : i32
    %c0_i32_1 = arith.constant 0 : i32
    return %c0_i32, %c0_i32_0 : i32, i32
  }
  func.func @transform_3(%arg0: i32) -> (i32, i32) {
    %c0_i32 = arith.constant 0 : i32
    %c0_i32_0 = arith.constant 0 : i32
    %c0_i32_1 = arith.constant 0 : i32
    return %c0_i32, %c0_i32_0 : i32, i32
  }
  func.func @transform_4(%arg0: i32) -> (i32, i32) {
    %c0_i32 = arith.constant 0 : i32
    %c0_i32_0 = arith.constant 0 : i32
    %c0_i32_1 = arith.constant 0 : i32
    return %c0_i32, %c0_i32_0 : i32, i32
  }
  func.func @transform_5(%arg0: i32) -> (i32, i32) {
    %c0_i32 = arith.constant 0 : i32
    %c0_i32_0 = arith.constant 0 : i32
    return %arg0, %c0_i32 : i32, i32
  }
  func.func @transform_6(%arg0: i32) -> (i32, i32) {
    %c0_i32 = arith.constant 0 : i32
    %c0_i32_0 = arith.constant 0 : i32
    return %arg0, %c0_i32 : i32, i32
  }
}

module attributes {stable_mosaic.version = 14 : i64} {
  func.func @_tc3_body(%arg0: i32, %arg1: memref<2x400x128xf32, #tpu.memory_space<vmem>>, %arg2: memref<2x400x144xf32, #tpu.memory_space<vmem>>, %arg3: memref<400x128xf32, #tpu.memory_space<vmem>>, %arg4: memref<400x128xf32, #tpu.memory_space<vmem>>) attributes {dimension_semantics = [#tpu.dimension_semantics<arbitrary>], iteration_bounds = array<i64: 25>, scalar_prefetch = 0 : i64, scratch_operands = 0 : i64, tpu.core_type = #tpu.core_type<tc>, window_params = [{transform_indices = @transform_0, window_bounds = array<i64: 2, 400, 128>}, {transform_indices = @transform_1, window_bounds = array<i64: 2, 400, 144>}, {transform_indices = @transform_2, window_bounds = array<i64: 400, 128>}, {transform_indices = @transform_3, window_bounds = array<i64: 400, 128>}]} {
    %get3A = arith.constant 0 : index
    %get3A_0 = arith.constant 0 : index
    %get3A_1 = arith.constant 0 : index
    %get3A_2 = vector.load %arg1[%get3A, %get3A_0, %get3A_1] : memref<2x400x128xf32, #tpu.memory_space<vmem>>, vector<1x400x128xf32>
    %get3A_3 = vector.shape_cast %get3A_2 : vector<1x400x128xf32> to vector<400x128xf32>
    %get3A_4 = arith.constant 1 : index
    %get3A_5 = arith.constant 0 : index
    %get3A_6 = arith.constant 0 : index
    %get3A_7 = vector.load %arg1[%get3A_4, %get3A_5, %get3A_6] : memref<2x400x128xf32, #tpu.memory_space<vmem>>, vector<1x400x128xf32>
    %get3A_8 = vector.shape_cast %get3A_7 : vector<1x400x128xf32> to vector<400x128xf32>
    %add3A = arith.addf %get3A_3, %get3A_8 : vector<400x128xf32>
    %get3A_9 = arith.constant 0 : index
    %get3A_10 = arith.constant 0 : index
    %get3A_11 = arith.constant 128 : index
    %get3A_12 = vector.load %arg2[%get3A_9, %get3A_10, %get3A_11] : memref<2x400x144xf32, #tpu.memory_space<vmem>>, vector<1x400x1xf32>
    %get3A_13 = vector.shape_cast %get3A_12 : vector<1x400x1xf32> to vector<400x1xf32>
    %get3A_14 = arith.constant 1 : index
    %get3A_15 = arith.constant 0 : index
    %get3A_16 = arith.constant 128 : index
    %get3A_17 = vector.load %arg2[%get3A_14, %get3A_15, %get3A_16] : memref<2x400x144xf32, #tpu.memory_space<vmem>>, vector<1x400x1xf32>
    %get3A_18 = vector.shape_cast %get3A_17 : vector<1x400x1xf32> to vector<400x1xf32>
    %add3A_19 = arith.addf %get3A_13, %get3A_18 : vector<400x1xf32>
    %max3A = arith.constant 1.000000e+00 : f32
    %max3A_20 = vector.broadcast %max3A : f32 to vector<400x1xf32>
    %max3A_21 = arith.maximumf %add3A_19, %max3A_20 : vector<400x1xf32>
    %div3A = vector.broadcast %max3A_21 : vector<400x1xf32> to vector<400x128xf32>
    %div3A_22 = arith.divf %add3A, %div3A : vector<400x128xf32>
    %get3A_23 = arith.constant 0 : index
    %get3A_24 = arith.constant 0 : index
    %get3A_25 = vector.load %arg3[%get3A_23, %get3A_24] : memref<400x128xf32, #tpu.memory_space<vmem>>, vector<400x128xf32>
    %add3A_26 = arith.addf %div3A_22, %get3A_25 : vector<400x128xf32>
    %swap3A = arith.constant 0 : index
    %swap3A_27 = arith.constant 0 : index
    %swap3A_28 = vector.load %arg4[%swap3A, %swap3A_27] : memref<400x128xf32, #tpu.memory_space<vmem>>, vector<400x128xf32>
    tpu.vector_store %arg4[%swap3A, %swap3A_27], %add3A_26 {strides = array<i32>} : memref<400x128xf32, #tpu.memory_space<vmem>>, vector<400x128xf32>,
    return
  }
  func.func @transform_0(%arg0: i32) -> (i32, i32, i32) {
    %c0_i32 = arith.constant 0 : i32
    %c0_i32_0 = arith.constant 0 : i32
    %c0_i32_1 = arith.constant 0 : i32
    return %c0_i32, %arg0, %c0_i32_0 : i32, i32, i32
  }
  func.func @transform_1(%arg0: i32) -> (i32, i32, i32) {
    %c0_i32 = arith.constant 0 : i32
    %c0_i32_0 = arith.constant 0 : i32
    %c0_i32_1 = arith.constant 0 : i32
    return %c0_i32, %arg0, %c0_i32_0 : i32, i32, i32
  }
  func.func @transform_2(%arg0: i32) -> (i32, i32) {
    %c0_i32 = arith.constant 0 : i32
    %c0_i32_0 = arith.constant 0 : i32
    return %arg0, %c0_i32 : i32, i32
  }
  func.func @transform_3(%arg0: i32) -> (i32, i32) {
    %c0_i32 = arith.constant 0 : i32
    %c0_i32_0 = arith.constant 0 : i32
    return %arg0, %c0_i32 : i32, i32
  }
}

</mosaic_0001>

<sc_bundles>
// kernel: kernel.10.cloned.1.call-start
scs
__scs_entry_jumppad:
0x0: {  	(pc) =	sbr.rel $0x88, $3  }
0x1: {  	(tag) =	ssettag $0x0;
	lr =	simm.s32 $0x1  }
0x2: {  	[smem:$0x3F99] =	sst lr;
	_ =	strace $0xD0000000  }
0x3: {  	_ = 	snop  }
0x4: {  	_ = 	snop  }
0x5: {  	_ = 	snop  }
0x6: {  	_ = 	snop  }
0x7: {  	_ = 	snop  }
__scs_overlays_trampoline_lowered:
0x8: {  	[smem:$0x3FA8] =	sst s0  }
0x9: {  	[smem:$0x3FA9] =	sst s1  }
0xa: {  	[smem:$0x3FAA] =	sst s2  }
0xb: {  	[smem:$0x3FAB] =	sst s3  }
0xc: {  	[smem:$0x3FAC] =	sst s4  }
0xd: {  	[smem:$0x3FAD] =	sst s5  }
0xe: {  	[smem:$0x3FAE] =	sst s6  }
0xf: {  	[smem:$0x3FAF] =	sst s7  }
0x10: {  	[smem:$0x3FB0] =	sst s8  }
0x11: {  	[smem:$0x3FB1] =	sst s9;
	s0 =	simm.s32 @!p0 $0x0  }
0x12: {  	s1 =	sld [smem:$0x3F97];
	s0 =	simm.s32 @p0 $0x1  }
0x13: {  	[smem:$0x3FB2] =	sst s0;
	s0 =	simm.s32 @!p1 $0x0  }
0x14: {  	s2 =	sld [smem:$0x3F96];
	s0 =	simm.s32 @p1 $0x1  }
0x15: {  	[smem:$0x3FB3] =	sst s0;
	s0 =	simm.s32 @!p2 $0x0  }
0x16: {  	s3 =	sld [smem:$0x3FDB];
	s0 =	simm.s32 @p2 $0x1  }
0x17: {  	s4 =	simm.s32 $0x1BF5;
	[smem:$0x3FB5] =	sst s0  }
0x18: {  	s0 =	sld [smem:$0x3F98];
	_ =	swait.ge [sflag:s4], $0x0  }
0x19: {  	s7 =	sld [smem:$0x3F99]  }
0x1a: {  	s8 =	sadd.s32 $0xFFFFE003, lr  }
0x1b: {  	s9 =	sadd.s32 $0xFFFFFEF7, lr;
	s5 =	simm.s32 $0xFFFFFFFF;
	p2 =	slt.u32 s8, $0xFFFFF086  }
0x1c: {  	p1 =	slt.u32 s9, $0xF7A;
	s5 =	simm.s32 @!p2 $0x0  }
0x1d: {  	s5 =	simm.s32 @p1 $0x1;
	p0 =	seq.s32 s7, s2  }
0x1e: {  	s7 =	smul.u32 @!p0 $0xF7A, s2;
	p2 =	seq.s32 @!p0 s5, $0x0  }
0x1f: {  	s9 =	smul.u32 $0xF7A, s1;
	s8 =	simm.s32 @!p0 $0x1BF5;
	p2 =	por !p2, p0  }
0x20: {  	[sflag:s8] =	ssyncset.s32 @!p0 $0xFFFFF086;
	s6 =	sadd.s32 @!p0 s3, s7;
	s7 =	simm.s32 @!p0 $0x108  }
0x21: {  	s3 =	sadd.s32 s3, s9;
	s6 =	sadd.s32 @!p0 $0x88, s6;
	s7 =	simm.s32 @p2 $0x1082  }
0x22: {  	[simem:s7], [sflag:s8] =	dma.local @!p0 [hbm:s6], $0xF7A  }
0x23: {  	s9 =	sor.u32 $0xD0000000, s2;
	s6 =	simm.s32 $0x108;
	_ =	swait.ge @!p0 [sflag:s8], $0x0  }
0x24: {  	s3 =	sadd.s32 $0x88, s3;
	s6 =	simm.s32 @!p1 $0x1082;
	[sflag:s4] =	ssyncset.s32 $0xFFFFF086  }
0x25: {  	[simem:s6], [sflag:s4] =	dma.local [hbm:s3], $0xF7A  }
0x26: {  	[smem:$0x3F99] =	sst s1;
	(tag) =	ssettag s2;
	_ =	strace s9  }
0x27: {  	s1 =	sld [smem:$0x3FA9]  }
0x28: {  	s2 =	sld [smem:$0x3FAA]  }
0x29: {  	s4 =	sld [smem:$0x3FAC]  }
0x2a: {  	p0 =	seq.s32 s5, $0x0;
	s5 =	sld [smem:$0x3FAD]  }
0x2b: {  	s6 =	sld [smem:$0x3FAE]  }
0x2c: {  	s7 =	sld [smem:$0x3FAF]  }
0x2d: {  	s3 =	simm.s32 $0x108;
	s8 =	sld [smem:$0x3FB0]  }
0x2e: {  	s3 =	simm.s32 @!p0 $0x1082;
	s9 =	sld [smem:$0x3FB1]  }
0x2f: {  	lr =	sadd.s32 s0, s3;
	s0 =	sld [smem:$0x3FA8]  }
0x30: {  	s3 =	sld [smem:$0x3FAB]  }
0x31: {  	[smem:$0x3FB4] =	sst s10  }
0x32: {  	s10 =	sld [smem:$0x3FB2];
	_ =	sdelay $0x3  }
0x33: {  	p0 =	seq.s32 s10, $0x1;
	s10 =	sld [smem:$0x3FB4];
	_ =	sdelay $0x3  }
0x34: {  	[smem:$0x3FB4] =	sst s10  }
0x35: {  	s10 =	sld [smem:$0x3FB3];
	_ =	sdelay $0x3  }
0x36: {  	p1 =	seq.s32 s10, $0x1;
	s10 =	sld [smem:$0x3FB4];
	_ =	sdelay $0x3  }
0x37: {  	[smem:$0x3FB4] =	sst s10  }
0x38: {  	s10 =	sld [smem:$0x3FB5]  }
0x39: {  	_ = 	snop;
	(pc) =	sbr.ind lr, $3  }
0x3a: {  	_ = 	snop  }
0x3b: {  	_ = 	snop  }
0x3c: {  	p2 =	seq.s32 s10, $0x1;
	s10 =	sld [smem:$0x3FB4]  }
0x3d: {  	_ =	shalt  }
0x3e: {  	_ =	shalt  }
0x3f: {  	_ =	shalt  }
0x40: {  	_ =	shalt  }
0x41: {  	_ =	shalt  }
0x42: {  	_ =	shalt  }
0x43: {  	_ =	shalt  }
0x44: {  	_ =	shalt  }
0x45: {  	_ =	shalt  }
0x46: {  	_ =	shalt  }
0x47: {  	_ =	shalt  }
0x48: {  	_ =	shalt  }
0x49: {  	_ =	shalt  }
0x4a: {  	_ =	shalt  }
0x4b: {  	_ =	shalt  }
0x4c: {  	_ =	shalt  }
0x4d: {  	_ =	shalt  }
0x4e: {  	_ =	shalt  }
0x4f: {  	_ =	shalt  }
0x50: {  	_ =	shalt  }
0x51: {  	_ =	shalt  }
0x52: {  	_ =	shalt  }
0x53: {  	_ =	shalt  }
0x54: {  	_ =	shalt  }
0x55: {  	_ =	shalt  }
0x56: {  	_ =	shalt  }
0x57: {  	_ =	shalt  }
0x58: {  	_ =	shalt  }
0x59: {  	_ =	shalt  }
0x5a: {  	_ =	shalt  }
0x5b: {  	_ =	shalt  }
0x5c: {  	_ =	shalt  }
0x5d: {  	_ =	shalt  }
0x5e: {  	_ =	shalt  }
0x5f: {  	_ =	shalt  }
0x60: {  	_ =	shalt  }
0x61: {  	_ =	shalt  }
0x62: {  	_ =	shalt  }
0x63: {  	_ =	shalt  }
0x64: {  	_ =	shalt  }
0x65: {  	_ =	shalt  }
0x66: {  	_ =	shalt  }
0x67: {  	_ =	shalt  }
0x68: {  	_ =	shalt  }
0x69: {  	_ =	shalt  }
0x6a: {  	_ =	shalt  }
0x6b: {  	_ =	shalt  }
0x6c: {  	_ =	shalt  }
0x6d: {  	_ =	shalt  }
0x6e: {  	_ =	shalt  }
0x6f: {  	_ =	shalt  }
0x70: {  	_ =	shalt  }
0x71: {  	_ =	shalt  }
0x72: {  	_ =	shalt  }
0x73: {  	_ =	shalt  }
0x74: {  	_ =	shalt  }
0x75: {  	_ =	shalt  }
0x76: {  	_ =	shalt  }
0x77: {  	_ =	shalt  }
0x78: {  	_ =	shalt  }
0x79: {  	_ =	shalt  }
0x7a: {  	_ =	shalt  }
0x7b: {  	_ =	shalt  }
0x7c: {  	_ =	shalt  }
0x7d: {  	_ =	shalt  }
0x7e: {  	_ =	shalt  }
0x7f: {  	_ =	shalt  }
0x80: {  	_ =	shalt  }
0x81: {  	_ =	shalt  }
0x82: {  	_ =	shalt  }
0x83: {  	_ =	shalt  }
0x84: {  	_ =	shalt  }
0x85: {  	_ =	shalt  }
0x86: {  	_ =	shalt  }
0x87: {  	_ =	shalt  }
.Lfunc_end0:
.L_simem_size_0:
called_computation.1_lowered:
.L_overlay_start_0:
0x88: {  	s2 =	sld [smem:$0x3FD9]  }
0x89: {  	s3 =	sld [smem:$0x3FFE];
	_ =	sdelay $0x1  }
0x8a: {  	s1 =	srdreg.scid  }
0x8b: {  	s0 =	sand.u32 $0x1, s1  }
0x8c: {  	s17 =	sshll.u32 s0, $0xA;
	s2 =	sadd.s32 s3, s2  }
0x8d: {  	s2 =	sadd.s32 s2, s17  }
0x8e: {  	[smem:$0x3FC0] =	sst s2  }
0x8f: {  	_ = 	snop  }
0x90: {  	s2 =	sld [smem:$0x3FD0];
	(tm) =	ssettm $0x1  }
0x91: {  	s18 =	sld [smem:$0x3FFB];
	_ =	sdelay $0x3  }
0x92: {  	_ =	strace s18  }
0x93: {  	s3 =	sld [smem:$0x3FFC];
	_ =	sdelay $0x3  }
0x94: {  	_ =	strace s3  }
0x95: {  	s3 =	sld [smem:$0x3FFD];
	_ =	sdelay $0x3  }
0x96: {  	_ =	strace s3  }
0x97: {  	_ =	strace $0x8FFFFFFF  }
0x98: {  	s19 =	sld [smem:$0x3FDB];
	_ =	sdelay $0x1  }
0x99: {  	s4 =	simm.s32 $_scs_section_size  }
0x9a: {  	s5 =	simm.s32 $_size__tile_overlayer_lowered;
	s6 =	simm.s32 $_tile_overlayer_lowered  }
0x9b: {  	s22 =	simm.s32 $0x1BFF;
	s21 =	sshll.u32 s6, $0x1;
	s3 =	sadd.s32 s4, s19  }
0x9c: {  	s7 =	simm.s32 $0x0;
	s20 =	sshll.u32 s5, $0x1;
	s5 =	sadd.s32 s21, s3  }
0x9d: {  	[timem:s7], [sflag:s22] =	dma.local [hbm:s5], s20  }
0x9e: {  	_ =	swait.ge [sflag:s22], s20  }
0x9f: {  	s4 =	ssub.s32 $0x0, s20;
	[sflag:s22] =	ssyncset.done $0x0  }
0xa0: {  	[sflag:s22] =	ssyncadd.s32 s4;
	_ =	sdelay $0x1  }
0xa1: {  	s23 =	simm.s32 $0x1B8B  }
0xa2: {  	_ =	swait.ge [sflag:s23], $0x1  }
0xa3: {  	[sflag:s23] =	ssyncset.done $0x0  }
0xa4: {  	s25 =	simm.s32 $0x1B8E;
	s24 =	sld [smem:$0x3FFE];
	[sflag:s23] =	ssyncadd.s32 $0xFFFFFFFF  }
0xa5: {  	s26 =	simm.s32 $execute0_lowered;
	[smem:$0x3FD2] =	sst s25  }
0xa6: {  	s5 =	sshll.u32 s26, $0x1;
	_ =	strace $0x80000049;
	[dreg:$0x1] =	wrdreg $0xFFFFFFFF  }
0xa7: {  	s28 =	simm.s32 $_size_execute0_lowered;
	s3 =	sadd.s32 s3, s5;
	[dreg:$0x0] =	wrdreg $0x0  }
0xa8: {  	s5 =	sshll.u32 s28, $0x1;
	[dreg:$0x2] =	wrdreg s3  }
0xa9: {  	[dreg:$0x3] =	wrdreg s5  }
0xaa: {  	[dreg:$0x4] =	wrdreg $0xC0  }
0xab: {  	_ =	task [dreg:s7], $0x5FFFF  }
0xac: {  	[dreg:$0x1] =	wrdreg $0xFFFFFFFF  }
0xad: {  	[dreg:$0x0] =	wrdreg $0x60  }
0xae: {  	[dreg:$0x2] =	wrdreg s2  }
0xaf: {  	[dreg:$0x3] =	wrdreg s24  }
0xb0: {  	[dreg:$0x4] =	wrdreg $0x82000  }
0xb1: {  	[dreg:$0x5] =	wrdreg $0x9  }
0xb2: {  	_ =	task.clear_ibuf [dreg:s7], $0x6FFFF;
	_ =	strace $0x90000049  }
0xb3: {  	s29 =	simm.s32 $0x9;
	_ =	strace $0x8000004B  }
0xb4: {  	_ =	swait.ge [sflag:s29], $0x1  }
0xb5: {  	[sflag:s29] =	ssyncadd.s32 $0xFFFFFFFF  }
0xb6: {  	_ =	strace $0x9000004B  }
0xb7: {  	_ =	sfence  }
0xb8: {  	s30 =	sld [smem:$0x0];
	_ =	sdelay $0x2  }
0xb9: {  	s31 =	sshll.u32 s1, $0xD;
	s1 =	sshrl.u32 s1, $0x2  }
0xba: {  	s3 =	sand.u32 $0x4000, s31;
	s1 =	sadd.s32 s1, s30  }
0xbb: {  	s0 =	sor.u32 s3, s0;
	s1 =	sshll.u32 s1, $0x11  }
0xbc: {  	s0 =	sor.u32 s1, s0  }
0xbd: {  	s0 =	sadd.s32 $0x8F2B, s0  }
0xbe: {  	[sflag:s0] =	ssyncadd.remote.s32 $0x1  }
0xbf: {  	_ =	sfence.sel $0xFFFF  }
0xc0: {  	[dreg:$0x0] =	wrdreg $0xFFFFFFFF;
	(pc) =	sbr.abs _section_cstart, $3  }
0xc1: {  	[dreg:$0x1] =	wrdreg $0xFFFFFFFF  }
0xc2: {  	_ =	task.clear_ibuf [dreg:s7], $0x2FFFF;
	_ =	strace $0x9FFFFFFF  }
0xc3: {  	(tm) =	ssettm $0x7FFFFFFF  }
tec
execute0_lowered:
.L_overlay_start_1:
0x0: {  	(tag) =	ssettag $0x1  }
0x1: {  	s1 =	rddreg [dreg:$0x0]  }
0x2: {  	s0 =	rddreg [dreg:$0x1]  }
0x3: {  	s3 =	rddreg [dreg:$0x2]  }
0x4: {  	s2 =	srdreg.scid;
	s11 =	stileid.u32;
	s4 =	simm.s32 $0x0  }
0x5: {  	s28 =	simm.s32 $0x4200;
	s29 =	simm.s32 $0x1;
	s5 =	smul.u32 $0x2800, s11  }
0x6: {  	s30 =	simm.s32 $0x3;
	s31 =	simm.s32 $0x2;
	s9 =	smul.u32 $0x28, s11  }
0x7: {  	s2 =	sand.u32 $0x1, s2;
	[smem:$0x7FF] =	sst s4;
	s10 =	smul.u32 $0x50000, s11  }
0x8: {  	s7 =	sadd.s32 $0x37600, s0;
	s8 =	sadd.s32 $0x2D600, s0;
	s6 =	smul.u32 $0x28000, s2  }
0x9: {  	_ =	strace $0x8000004A;
	s15 =	ssub.s32 $0x2, s2;
	p0 =	seq.s32 s2, $0x0  }
0xa: {  	s2 =	smul.u32 $0x78, s11;
	s16 =	sshrl.u32 s15, $0x1;
	s17 =	sshrl.u32 s10, $0x2  }
0xb: {  	s9 =	sadd.s32 $0x780, s9;
	s5 =	sadd.s32 s5, s6;
	s6 =	sadd.s32 s17, s3  }
0xc: {  	s14 =	ssub.s32 s15, s16;
	s9 =	smov.u32 @p0 s2;
	s18 =	sadd.s32 $0x4000, s6  }
0xd: {  	s0 =	sadd.s32 s5, s0;
	s19 =	sadd.s32 $0x8000, s6;
	[dreg:$0x4] =	wrdreg s18  }
0xe: {  	s5 =	simm.s32 $0x78;
	s21 =	sadd.s32 $0xC000, s6;
	[dreg:$0x5] =	wrdreg s19  }
0xf: {  	s20 =	sshll.u32 s9, $0x4;
	s22 =	sadd.s32 $0x10000, s6;
	[dreg:$0x6] =	wrdreg s21  }
0x10: {  	s24 =	smax.u32 s14, $0x1;
	s5 =	simm.s32 @!p0 $0x28;
	[dreg:$0x7] =	wrdreg s22  }
0x11: {  	s11 =	sadd.s32 s7, s20;
	s12 =	sadd.s32 s8, s20;
	s0 =	sadd.s32 $0x41600, s0  }
0x12: {  	[dreg:$0x9] =	wrdreg s24;
	s25 =	sor.u32 $0x10, s20;
	s2 =	sor.u32 $0x20, s20  }
0x13: {  	s22 =	simm.s32 $0x200;
	s24 =	simm.s32 $0x80;
	s23 =	sshrl.u32 s5, $0x1  }
0x14: {  	[dreg:$0x8] =	wrdreg s0;
	s26 =	sadd.s32 s7, s25;
	s0 =	sadd.s32 s8, s25  }
0x15: {  	s17 =	sadd.s32 s7, s2;
	s18 =	sadd.s32 s8, s2;
	s9 =	sadd.s32 $0x40, s12  }
0x16: {  	s21 =	sadd.s32 $0x40, s11;
	s25 =	simm.s32 $0x100;
	[dreg:$0xa] =	wrdreg s26  }
0x17: {  	s2 =	simm.s32 $0x0;
	[dreg:$0xb] =	wrdreg s0;
	s19 =	sadd.s32 $0xFFFFFFFE, s23  }
0x18: {  	v0 =	vimm.f32 $0.0e+00;
	s23 =	simm.s32 $0x5;
	s26 =	simm.s32 $0x180;
	s0 =	simm.s32 $0x4  }
.LBB2_1:
0x19: {  	s7 =	simm.s32 $0x0;
	s8 =	simm.s32 $0x200  }
.LBB2_2:
0x1a: {  	p0 =	sne.s32 s8, $0xFE00;
	[tilespmem:s7+$0x270] =	vst v0  }
0x1b: {  	[tilespmem:s7+$0x200] =	vst v0  }
0x1c: {  	[tilespmem:s7+$0x210] =	vst v0  }
.Ltmp0:
0x1d: {  	[tilespmem:s7+$0x220] =	vst v0;
	(pc) =	sbr.rel @p0 .LBB2_2-.Ltmp0, $4  }
0x1e: {  	[tilespmem:s7+$0x230] =	vst v0  }
0x1f: {  	[tilespmem:s7+$0x240] =	vst v0  }
0x20: {  	[tilespmem:s7+$0x250] =	vst v0  }
0x21: {  	[tilespmem:s7+$0x260] =	vst v0;
	s7 =	sshra.s32 s8, $0x2;
	s8 =	sadd.s32 $0x200, s8  }
0x22: {  	[tilespmem:s7+$0x270] =	vst v0  }
0x23: {  	[tilespmem:s7+$0x200] =	vst v0  }
0x24: {  	[tilespmem:s7+$0x210] =	vst v0  }
0x25: {  	[tilespmem:s7+$0x220] =	vst v0  }
0x26: {  	[tilespmem:s7+$0x230] =	vst v0  }
0x27: {  	[tilespmem:s7+$0x240] =	vst v0  }
0x28: {  	[tilespmem:s7+$0x250] =	vst v0  }
0x29: {  	[tilespmem:s7+$0x260] =	vst v0  }
0x2a: {  	[spmem:s6] =	stream.linear.scatter [tilespmem:s22], [sflag:$0x5], $0x4000, $0x38;
	[tilespmem:$0x1C200] =	vst v63  }
0x2b: {  	_ =	swait.ge [sflag:s23], $0x4000  }
0x2c: {  	[sflag:s23] =	ssyncset.done $0x0  }
0x2d: {  	s20 =	rddreg [dreg:$0x4];
	[sflag:s23] =	ssyncadd.s32 $0xFFFFC000  }
0x2e: {  	[spmem:s20] =	stream.linear.scatter [tilespmem:s22], [sflag:$0x5], $0x4000, $0x38;
	[tilespmem:$0x1C200] =	vst v63  }
0x2f: {  	_ =	swait.ge [sflag:s23], $0x4000  }
0x30: {  	[sflag:s23] =	ssyncset.done $0x0  }
0x31: {  	s8 =	rddreg [dreg:$0x5];
	[sflag:s23] =	ssyncadd.s32 $0xFFFFC000  }
0x32: {  	[spmem:s8] =	stream.linear.scatter [tilespmem:s22], [sflag:$0x5], $0x4000, $0x38;
	[tilespmem:$0x1C200] =	vst v63  }
0x33: {  	_ =	swait.ge [sflag:s23], $0x4000  }
0x34: {  	[sflag:s23] =	ssyncset.done $0x0  }
0x35: {  	s10 =	rddreg [dreg:$0x6];
	[sflag:s23] =	ssyncadd.s32 $0xFFFFC000  }
0x36: {  	[spmem:s10] =	stream.linear.scatter [tilespmem:s22], [sflag:$0x5], $0x4000, $0x38;
	[tilespmem:$0x1C200] =	vst v63  }
0x37: {  	_ =	swait.ge [sflag:s23], $0x4000  }
0x38: {  	[sflag:s23] =	ssyncset.done $0x0  }
0x39: {  	s13 =	rddreg [dreg:$0x7];
	[sflag:s23] =	ssyncadd.s32 $0xFFFFC000  }
0x3a: {  	[spmem:s13] =	stream.linear.scatter [tilespmem:s22], [sflag:$0x5], $0x4000, $0x38;
	[tilespmem:$0x1C200] =	vst v63  }
0x3b: {  	_ =	swait.ge [sflag:s23], $0x4000  }
0x3c: {  	[sflag:s23] =	ssyncset.done $0x0  }
0x3d: {  	[sflag:s23] =	ssyncadd.s32 $0xFFFFC000  }
0x3e: {  	[bflag:$0x0] =	sbarrier.arrive $0xFFFF  }
0x3f: {  	[tilespmem:s4], [sflag:$0x5] =	stream.linear.gather [hbm4b:s11+s4], $0x80, $0x38;
	[tilespmem:$0x1C200] =	vst v63  }
0x40: {  	_ =	swait.ge [sflag:s23], $0x80  }
0x41: {  	[sflag:s23] =	ssyncset.done $0x0  }
0x42: {  	[sflag:s23] =	ssyncadd.s32 $0xFFFFFF80  }
0x43: {  	[tilespmem:s24], [sflag:$0x5] =	stream.linear.gather [hbm4b:s12+s4], $0x80, $0x38;
	[tilespmem:$0x1C200] =	vst v63  }
0x44: {  	_ =	swait.ge [sflag:s23], $0x80  }
0x45: {  	[sflag:s23] =	ssyncset.done $0x0  }
0x46: {  	[sflag:s23] =	ssyncadd.s32 $0xFFFFFF80  }
0x47: {  	[tilespmem:s22], [sflag:$0x1] =	stream.indirect.gather [hbm4b:s1+s24], $0x80, s4, s24, $0xb8;
	[tilespmem:$0x1C200] =	vst v63  }
0x48: {  	s14 =	rddreg [dreg:$0xa]  }
0x49: {  	[tilespmem:s25], [sflag:$0x5] =	stream.linear.gather [hbm4b:s14+s4], $0x80, $0x38;
	[tilespmem:$0x1C200] =	vst v63  }
0x4a: {  	_ =	swait.ge [sflag:s23], $0x80  }
0x4b: {  	[sflag:s23] =	ssyncset.done $0x0  }
0x4c: {  	s15 =	rddreg [dreg:$0xb];
	[sflag:s23] =	ssyncadd.s32 $0xFFFFFF80  }
0x4d: {  	[tilespmem:s26], [sflag:$0x5] =	stream.linear.gather [hbm4b:s15+s4], $0x80, $0x38;
	[tilespmem:$0x1C200] =	vst v63  }
0x4e: {  	_ =	swait.ge [sflag:s23], $0x80  }
0x4f: {  	[sflag:s23] =	ssyncset.done $0x0  }
0x50: {  	[sflag:s23] =	ssyncadd.s32 $0xFFFFFF80  }
0x51: {  	[tilespmem:s28], [sflag:$0x2] =	stream.indirect.gather [hbm4b:s1+s24], $0x80, s25, s24, $0xb8;
	[tilespmem:$0x1C200] =	vst v63  }
0x52: {  	_ =	swait.ge [sflag:s29], $0x4000  }
0x53: {  	[sflag:s29] =	ssyncset.done $0x0  }
0x54: {  	[sflag:s29] =	ssyncadd.s32 $0xFFFFC000  }
0x55: {  	[spmem:s3] =	stream.indirect.scatter.add.f32 [tilespmem:s22], [sflag:$0x3], $0x80, s24, s24, $0xb8;
	[tilespmem:$0x1C200] =	vst v63  }
0x56: {  	_ =	swait.ge [sflag:s30], $0x4000  }
0x57: {  	[sflag:s30] =	ssyncset.done $0x0  }
0x58: {  	[sflag:s30] =	ssyncadd.s32 $0xFFFFC000  }
0x59: {  	[tilespmem:s4], [sflag:$0x5] =	stream.linear.gather [hbm4b:s17+s4], $0x80, $0x38;
	[tilespmem:$0x1C200] =	vst v63  }
0x5a: {  	_ =	swait.ge [sflag:s23], $0x80  }
0x5b: {  	[sflag:s23] =	ssyncset.done $0x0  }
0x5c: {  	[sflag:s23] =	ssyncadd.s32 $0xFFFFFF80  }
0x5d: {  	[tilespmem:s24], [sflag:$0x5] =	stream.linear.gather [hbm4b:s18+s4], $0x80, $0x38;
	[tilespmem:$0x1C200] =	vst v63  }
0x5e: {  	_ =	swait.ge [sflag:s23], $0x80  }
0x5f: {  	[sflag:s23] =	ssyncset.done $0x0  }
0x60: {  	[sflag:s23] =	ssyncadd.s32 $0xFFFFFF80  }
0x61: {  	[tilespmem:s22], [sflag:$0x1] =	stream.indirect.gather [hbm4b:s1+s24], $0x80, s4, s24, $0xb8;
	[tilespmem:$0x1C200] =	vst v63  }
0x62: {  	_ =	swait.ge [sflag:s31], $0x4000  }
0x63: {  	[sflag:s31] =	ssyncset.done $0x0  }
0x64: {  	[sflag:s31] =	ssyncadd.s32 $0xFFFFC000  }
0x65: {  	[spmem:s3] =	stream.indirect.scatter.add.f32 [tilespmem:s28], [sflag:$0x4], $0x80, s26, s24, $0xb8;
	[tilespmem:$0x1C200] =	vst v63  }
0x66: {  	_ =	swait.ge [sflag:s0], $0x4000  }
0x67: {  	[sflag:s0] =	ssyncset.done $0x0  }
0x68: {  	s16 =	sadd.s32 $0xFFFFFFF0, s21;
	[sflag:s0] =	ssyncadd.s32 $0xFFFFC000  }
0x69: {  	[tilespmem:s25], [sflag:$0x5] =	stream.linear.gather [hbm4b:s16+s4], $0x80, $0x38;
	[tilespmem:$0x1C200] =	vst v63  }
0x6a: {  	_ =	swait.ge [sflag:s23], $0x80  }
0x6b: {  	[sflag:s23] =	ssyncset.done $0x0  }
0x6c: {  	s20 =	sadd.s32 $0xFFFFFFF0, s9;
	[sflag:s23] =	ssyncadd.s32 $0xFFFFFF80  }
0x6d: {  	[tilespmem:s26], [sflag:$0x5] =	stream.linear.gather [hbm4b:s20+s4], $0x80, $0x38;
	[tilespmem:$0x1C200] =	vst v63  }
0x6e: {  	_ =	swait.ge [sflag:s23], $0x80  }
0x6f: {  	[sflag:s23] =	ssyncset.done $0x0  }
0x70: {  	[sflag:s23] =	ssyncadd.s32 $0xFFFFFF80  }
0x71: {  	[tilespmem:s28], [sflag:$0x2] =	stream.indirect.gather [hbm4b:s1+s24], $0x80, s25, s24, $0xb8;
	[tilespmem:$0x1C200] =	vst v63  }
0x72: {  	_ =	swait.ge [sflag:s29], $0x4000  }
0x73: {  	p0 =	sle.u32 s5, $0x4;
	[sflag:s29] =	ssyncset.done $0x0  }
0x74: {  	s7 =	simm.s32 @!p0 $0x3;
	[sflag:s29] =	ssyncadd.s32 $0xFFFFC000  }
0x75: {  	[spmem:s3] =	stream.indirect.scatter.add.f32 [tilespmem:s22], [sflag:$0x3], $0x80, s24, s24, $0xb8;
	[tilespmem:$0x1C200] =	vst v63  }
0x76: {  	_ =	swait.ge @!p0 [sflag:s7], $0x4000  }
0x77: {  	[sflag:s7] =	ssyncset.done @!p0 $0x0  }
0x78: {  	s8 =	simm.s32 @!p0 $0x0;
	[sflag:s7] =	ssyncadd.s32 @!p0 $0xFFFFC000;
	s7 =	simm.s32 @!p0 $0x5  }
0x79: {  	[tilespmem:s8], [sflag:$0x5] =	stream.linear.gather @!p0 [hbm4b:s21+s8], $0x80, $0x38;
	[tilespmem:$0x1C200] =	vst v63  }
0x7a: {  	_ =	swait.ge @!p0 [sflag:s7], $0x80  }
0x7b: {  	[sflag:s7] =	ssyncset.done @!p0 $0x0  }
0x7c: {  	s20 =	simm.s32 @!p0 $0x80;
	[sflag:s7] =	ssyncadd.s32 @!p0 $0xFFFFFF80  }
0x7d: {  	[tilespmem:s20], [sflag:$0x5] =	stream.linear.gather @!p0 [hbm4b:s9+s8], $0x80, $0x38;
	[tilespmem:$0x1C200] =	vst v63  }
0x7e: {  	_ =	swait.ge @!p0 [sflag:s7], $0x80  }
0x7f: {  	[sflag:s7] =	ssyncset.done @!p0 $0x0  }
0x80: {  	s10 =	sadd.s32 $0xFFFFFFFF, s19;
	[sflag:s7] =	ssyncadd.s32 @!p0 $0xFFFFFF80;
	s7 =	simm.s32 @!p0 $0x200  }
0x81: {  	[tilespmem:s7], [sflag:$0x1] =	stream.indirect.gather @!p0 [hbm4b:s1+s20], $0x80, s8, s20, $0xb8;
	[tilespmem:$0x1C200] =	vst v63  }
0x82: {  	p0 =	sne.s32 s10, $0x0  }
.Ltmp1:
0x83: {  	_ = 	snop;
	(pc) =	sbr.rel @!p0 .LBB2_5-.Ltmp1, $3  }
0x84: {  	_ =	sdelay $0x1  }
0x85: {  	s7 =	sadd.s32 $0x20, s21;
	_ =	swait.ge [sflag:s31], $0x4000  }
0x86: {  	s8 =	simm.s32 $0x6;
	s20 =	smov.u32 s9;
	[sflag:s31] =	ssyncset.done $0x0  }
.LBB2_4:
0x87: {  	s10 =	sadd.s32 $0xFFFFFFFF, s10;
	[sflag:s31] =	ssyncadd.s32 $0xFFFFC000;
	s20 =	sadd.s32 $0x20, s20  }
0x88: {  	[spmem:s3] =	stream.indirect.scatter.add.f32 [tilespmem:s28], [sflag:$0x4], $0x80, s26, s24, $0xb8;
	[tilespmem:$0x1C200] =	vst v63  }
0x89: {  	p0 =	sne.s32 s10, $0x0;
	_ =	swait.ge [sflag:s0], $0x4000  }
0x8a: {  	s13 =	sadd.s32 $0xFFFFFFF0, s7;
	[sflag:s0] =	ssyncset.done $0x0  }
0x8b: {  	[sflag:s0] =	ssyncadd.s32 $0xFFFFC000  }
0x8c: {  	[tilespmem:s25], [sflag:$0x5] =	stream.linear.gather [hbm4b:s13+s4], $0x80, $0x38;
	[tilespmem:$0x1C200] =	vst v63  }
0x8d: {  	_ =	swait.ge [sflag:s23], $0x80  }
0x8e: {  	s13 =	sadd.s32 $0xFFFFFFF0, s20;
	[sflag:s23] =	ssyncset.done $0x0  }
0x8f: {  	[sflag:s23] =	ssyncadd.s32 $0xFFFFFF80  }
0x90: {  	[tilespmem:s26], [sflag:$0x5] =	stream.linear.gather [hbm4b:s13+s4], $0x80, $0x38;
	[tilespmem:$0x1C200] =	vst v63  }
0x91: {  	_ =	swait.ge [sflag:s23], $0x80  }
0x92: {  	[sflag:s23] =	ssyncset.done $0x0  }
0x93: {  	[sflag:s23] =	ssyncadd.s32 $0xFFFFFF80  }
0x94: {  	[tilespmem:s28], [sflag:$0x2] =	stream.indirect.gather [hbm4b:s1+s24], $0x80, s25, s24, $0xb8;
	[tilespmem:$0x1C200] =	vst v63  }
0x95: {  	_ =	swait.ge [sflag:s29], $0x4000  }
0x96: {  	p1 =	sge.u32 s8, s5;
	[sflag:s29] =	ssyncset.done $0x0  }
0x97: {  	s13 =	simm.s32 @!p1 $0x3;
	[sflag:s29] =	ssyncadd.s32 $0xFFFFC000  }
0x98: {  	[spmem:s3] =	stream.indirect.scatter.add.f32 [tilespmem:s22], [sflag:$0x3], $0x80, s24, s24, $0xb8;
	[tilespmem:$0x1C200] =	vst v63  }
0x99: {  	_ =	swait.ge @!p1 [sflag:s13], $0x4000  }
0x9a: {  	s14 =	simm.s32 @!p1 $0x0;
	[sflag:s13] =	ssyncset.done @!p1 $0x0  }
0x9b: {  	[sflag:s13] =	ssyncadd.s32 @!p1 $0xFFFFC000;
	s13 =	simm.s32 @!p1 $0x5  }
0x9c: {  	[tilespmem:s14], [sflag:$0x5] =	stream.linear.gather @!p1 [hbm4b:s7+s14], $0x80, $0x38;
	[tilespmem:$0x1C200] =	vst v63  }
0x9d: {  	_ =	swait.ge @!p1 [sflag:s13], $0x80  }
0x9e: {  	s15 =	simm.s32 @!p1 $0x80;
	[sflag:s13] =	ssyncset.done @!p1 $0x0  }
0x9f: {  	[sflag:s13] =	ssyncadd.s32 @!p1 $0xFFFFFF80  }
0xa0: {  	[tilespmem:s15], [sflag:$0x5] =	stream.linear.gather @!p1 [hbm4b:s20+s14], $0x80, $0x38;
	[tilespmem:$0x1C200] =	vst v63  }
0xa1: {  	_ =	swait.ge @!p1 [sflag:s13], $0x80  }
.Ltmp2:
0xa2: {  	s16 =	simm.s32 @!p1 $0x200;
	[sflag:s13] =	ssyncset.done @!p1 $0x0;
	(pc) =	sbr.rel @p0 .LBB2_4-.Ltmp2, $4  }
0xa3: {  	[sflag:s13] =	ssyncadd.s32 @!p1 $0xFFFFFF80  }
0xa4: {  	[tilespmem:s16], [sflag:$0x1] =	stream.indirect.gather @!p1 [hbm4b:s1+s15], $0x80, s14, s15, $0xb8;
	[tilespmem:$0x1C200] =	vst v63  }
0xa5: {  	_ =	swait.ge [sflag:s31], $0x4000  }
0xa6: {  	s8 =	sadd.s32 $0x2, s8;
	s7 =	sadd.s32 $0x20, s7;
	[sflag:s31] =	ssyncset.done $0x0  }
.LBB2_5:
0xa7: {  	[sflag:s31] =	ssyncadd.s32 $0xFFFFC000  }
0xa8: {  	[spmem:s3] =	stream.indirect.scatter.add.f32 [tilespmem:s28], [sflag:$0x4], $0x80, s26, s24, $0xb8;
	[tilespmem:$0x1C200] =	vst v63  }
0xa9: {  	_ =	swait.ge [sflag:s0], $0x4000  }
0xaa: {  	[sflag:s0] =	ssyncset.done $0x0  }
0xab: {  	s10 =	sadd.s32 $0xFFFFFFF0, s7;
	[sflag:s0] =	ssyncadd.s32 $0xFFFFC000  }
0xac: {  	[tilespmem:s25], [sflag:$0x5] =	stream.linear.gather [hbm4b:s10+s4], $0x80, $0x38;
	[tilespmem:$0x1C200] =	vst v63  }
0xad: {  	_ =	swait.ge [sflag:s23], $0x80  }
0xae: {  	s10 =	sadd.s32 $0x20, s20;
	[sflag:s23] =	ssyncset.done $0x0  }
0xaf: {  	s13 =	sadd.s32 $0xFFFFFFF0, s10;
	[sflag:s23] =	ssyncadd.s32 $0xFFFFFF80  }
0xb0: {  	[tilespmem:s26], [sflag:$0x5] =	stream.linear.gather [hbm4b:s13+s4], $0x80, $0x38;
	[tilespmem:$0x1C200] =	vst v63  }
0xb1: {  	_ =	swait.ge [sflag:s23], $0x80  }
0xb2: {  	[sflag:s23] =	ssyncset.done $0x0  }
0xb3: {  	[sflag:s23] =	ssyncadd.s32 $0xFFFFFF80  }
0xb4: {  	[tilespmem:s28], [sflag:$0x2] =	stream.indirect.gather [hbm4b:s1+s24], $0x80, s25, s24, $0xb8;
	[tilespmem:$0x1C200] =	vst v63  }
0xb5: {  	_ =	swait.ge [sflag:s29], $0x4000  }
0xb6: {  	p0 =	sge.u32 s8, s5;
	[sflag:s29] =	ssyncset.done $0x0  }
0xb7: {  	s8 =	simm.s32 @!p0 $0x3;
	[sflag:s29] =	ssyncadd.s32 $0xFFFFC000  }
0xb8: {  	[spmem:s3] =	stream.indirect.scatter.add.f32 [tilespmem:s22], [sflag:$0x3], $0x80, s24, s24, $0xb8;
	[tilespmem:$0x1C200] =	vst v63  }
0xb9: {  	_ =	swait.ge @!p0 [sflag:s8], $0x4000  }
0xba: {  	[sflag:s8] =	ssyncset.done @!p0 $0x0  }
0xbb: {  	[sflag:s8] =	ssyncadd.s32 @!p0 $0xFFFFC000;
	s8 =	simm.s32 @!p0 $0x0  }
0xbc: {  	[tilespmem:s8], [sflag:$0x5] =	stream.linear.gather @!p0 [hbm4b:s7+s8], $0x80, $0x38;
	[tilespmem:$0x1C200] =	vst v63  }
0xbd: {  	s7 =	simm.s32 @!p0 $0x5  }
0xbe: {  	_ =	swait.ge @!p0 [sflag:s7], $0x80  }
0xbf: {  	[sflag:s7] =	ssyncset.done @!p0 $0x0  }
0xc0: {  	s13 =	simm.s32 @!p0 $0x80;
	[sflag:s7] =	ssyncadd.s32 @!p0 $0xFFFFFF80  }
0xc1: {  	[tilespmem:s13], [sflag:$0x5] =	stream.linear.gather @!p0 [hbm4b:s10+s8], $0x80, $0x38;
	[tilespmem:$0x1C200] =	vst v63  }
0xc2: {  	_ =	swait.ge @!p0 [sflag:s7], $0x80  }
0xc3: {  	[sflag:s7] =	ssyncset.done @!p0 $0x0  }
0xc4: {  	[sflag:s7] =	ssyncadd.s32 @!p0 $0xFFFFFF80;
	s7 =	simm.s32 @!p0 $0x200  }
0xc5: {  	[tilespmem:s7], [sflag:$0x1] =	stream.indirect.gather @!p0 [hbm4b:s1+s13], $0x80, s8, s13, $0xb8;
	[tilespmem:$0x1C200] =	vst v63  }
0xc6: {  	_ =	swait.ge [sflag:s31], $0x4000  }
0xc7: {  	[sflag:s31] =	ssyncset.done $0x0  }
0xc8: {  	[sflag:s31] =	ssyncadd.s32 $0xFFFFC000  }
0xc9: {  	[spmem:s3] =	stream.indirect.scatter.add.f32 [tilespmem:s28], [sflag:$0x4], $0x80, s26, s24, $0xb8;
	[tilespmem:$0x1C200] =	vst v63  }
0xca: {  	_ =	swait.ge [sflag:s30], $0x4000  }
0xcb: {  	[sflag:s30] =	ssyncset.done $0x0  }
0xcc: {  	[sflag:s30] =	ssyncadd.s32 $0xFFFFC000  }
0xcd: {  	_ =	swait.ge [sflag:s0], $0x4000  }
0xce: {  	[sflag:s0] =	ssyncset.done $0x0  }
0xcf: {  	s14 =	stileid.u32;
	[sflag:s0] =	ssyncadd.s32 $0xFFFFC000  }
0xd0: {  	s7 =	sshll.u32 s14, $0x6;
	[bflag:$0x0] =	sbarrier.arrive $0xFFFF  }
0xd1: {  	s15 =	sshrl.u32 s6, $0x3;
	s7 =	sor.u32 $0x1C05, s7;
	s16 =	rddreg [dreg:$0x8]  }
0xd2: {  	[hbm:s16], [sflag:s7] =	dma.local [spmem:s15], $0x2800  }
0xd3: {  	_ =	swait.ge [sflag:s23], $0x2800  }
0xd4: {  	s2 =	sadd.s32 $0x1, s2;
	s20 =	rddreg [dreg:$0x9]  }
0xd5: {  	p0 =	sne.s32 s2, s20  }
.Ltmp3:
0xd6: {  	_ = 	snop;
	(pc) =	sbr.rel @p0 .LBB2_1-.Ltmp3, $3  }
0xd7: {  	_ =	sdelay $0x1  }
0xd8: {  	[sflag:s23] =	ssyncset.done $0x0  }
0xd9: {  	[sflag:s23] =	ssyncadd.s32 $0xFFFFD800  }
0xda: {  	_ =	sfence.sel $0x180000  }
0xdb: {  	[bflag:$0x0] =	sbarrier.arrive $0xFFFF  }
0xdc: {  	_ =	strace $0x9000004A  }
0xdd: {  	s0 =	stileid.u32;
	[bflag:$0x2] =	sbarrier.arrive $0xFFFF  }
0xde: {  	p0 =	sne.s32 s0, $0x0;
	s0 =	rddreg [dreg:$0x3]  }
0xdf: {  	s0 =	sadd.s32 @!p0 $0x100000, s0  }
0xe0: {  	[sflag:s0] =	ssyncadd.tile.s32 @!p0 $0x1;
	_ =	shalt  }
.Lfunc_end2:
_tile_overlayer_lowered:
.L_overlay_start_2:
0xe1: {  	(tag) =	ssettag $0x2  }
0xe2: {  	s0 =	rddreg [dreg:$0x0];
	s2 =	stileid.u32  }
0xe3: {  	s1 =	rddreg [dreg:$0x1];
	p0 =	sne.s32 s2, $0x0  }
0xe4: {  	s3 =	rddreg [dreg:$0x2];
	[bflag:$0x3] =	sbarrier.arrive $0xFFFF;
	s2 =	simm.s32 @!p0 $0x1C05  }
0xe5: {  	[timem:s3], [sflag:s2] =	dma.local @!p0 [hbm:s0], s1  }
0xe6: {  	s0 =	simm.s32 @!p0 $0x5  }
0xe7: {  	_ =	swait.ge @!p0 [sflag:s0], s1  }
0xe8: {  	s1 =	ssub.s32 @!p0 $0x0, s1;
	[sflag:s0] =	ssyncset.done @!p0 $0x0  }
0xe9: {  	[sflag:s0] =	ssyncadd.s32 @!p0 s1  }
0xea: {  	[bflag:$0x3] =	sbarrier.arrive $0xFFFF  }
0xeb: {  	_ =	shalt  }

// kernel: kernel.7.cloned.1.call-start
scs
__scs_entry_jumppad:
0x0: {  	(pc) =	sbr.rel $0x88, $3  }
0x1: {  	(tag) =	ssettag $0x0;
	lr =	simm.s32 $0x1  }
0x2: {  	[smem:$0x3F99] =	sst lr;
	_ =	strace $0xD0000000  }
0x3: {  	_ = 	snop  }
0x4: {  	_ = 	snop  }
0x5: {  	_ = 	snop  }
0x6: {  	_ = 	snop  }
0x7: {  	_ = 	snop  }
__scs_overlays_trampoline_lowered:
0x8: {  	[smem:$0x3FA8] =	sst s0  }
0x9: {  	[smem:$0x3FA9] =	sst s1  }
0xa: {  	[smem:$0x3FAA] =	sst s2  }
0xb: {  	[smem:$0x3FAB] =	sst s3  }
0xc: {  	[smem:$0x3FAC] =	sst s4  }
0xd: {  	[smem:$0x3FAD] =	sst s5  }
0xe: {  	[smem:$0x3FAE] =	sst s6  }
0xf: {  	[smem:$0x3FAF] =	sst s7  }
0x10: {  	[smem:$0x3FB0] =	sst s8  }
0x11: {  	[smem:$0x3FB1] =	sst s9;
	s0 =	simm.s32 @!p0 $0x0  }
0x12: {  	s1 =	sld [smem:$0x3F97];
	s0 =	simm.s32 @p0 $0x1  }
0x13: {  	[smem:$0x3FB2] =	sst s0;
	s0 =	simm.s32 @!p1 $0x0  }
0x14: {  	s2 =	sld [smem:$0x3F96];
	s0 =	simm.s32 @p1 $0x1  }
0x15: {  	[smem:$0x3FB3] =	sst s0;
	s0 =	simm.s32 @!p2 $0x0  }
0x16: {  	s3 =	sld [smem:$0x3FDB];
	s0 =	simm.s32 @p2 $0x1  }
0x17: {  	s4 =	simm.s32 $0x1BF5;
	[smem:$0x3FB5] =	sst s0  }
0x18: {  	s0 =	sld [smem:$0x3F98];
	_ =	swait.ge [sflag:s4], $0x0  }
0x19: {  	s7 =	sld [smem:$0x3F99]  }
0x1a: {  	s8 =	sadd.s32 $0xFFFFE003, lr  }
0x1b: {  	s9 =	sadd.s32 $0xFFFFFEF7, lr;
	s5 =	simm.s32 $0xFFFFFFFF;
	p2 =	slt.u32 s8, $0xFFFFF086  }
0x1c: {  	p1 =	slt.u32 s9, $0xF7A;
	s5 =	simm.s32 @!p2 $0x0  }
0x1d: {  	s5 =	simm.s32 @p1 $0x1;
	p0 =	seq.s32 s7, s2  }
0x1e: {  	s7 =	smul.u32 @!p0 $0xF7A, s2;
	p2 =	seq.s32 @!p0 s5, $0x0  }
0x1f: {  	s9 =	smul.u32 $0xF7A, s1;
	s8 =	simm.s32 @!p0 $0x1BF5;
	p2 =	por !p2, p0  }
0x20: {  	[sflag:s8] =	ssyncset.s32 @!p0 $0xFFFFF086;
	s6 =	sadd.s32 @!p0 s3, s7;
	s7 =	simm.s32 @!p0 $0x108  }
0x21: {  	s3 =	sadd.s32 s3, s9;
	s6 =	sadd.s32 @!p0 $0x88, s6;
	s7 =	simm.s32 @p2 $0x1082  }
0x22: {  	[simem:s7], [sflag:s8] =	dma.local @!p0 [hbm:s6], $0xF7A  }
0x23: {  	s9 =	sor.u32 $0xD0000000, s2;
	s6 =	simm.s32 $0x108;
	_ =	swait.ge @!p0 [sflag:s8], $0x0  }
0x24: {  	s3 =	sadd.s32 $0x88, s3;
	s6 =	simm.s32 @!p1 $0x1082;
	[sflag:s4] =	ssyncset.s32 $0xFFFFF086  }
0x25: {  	[simem:s6], [sflag:s4] =	dma.local [hbm:s3], $0xF7A  }
0x26: {  	[smem:$0x3F99] =	sst s1;
	(tag) =	ssettag s2;
	_ =	strace s9  }
0x27: {  	s1 =	sld [smem:$0x3FA9]  }
0x28: {  	s2 =	sld [smem:$0x3FAA]  }
0x29: {  	s4 =	sld [smem:$0x3FAC]  }
0x2a: {  	p0 =	seq.s32 s5, $0x0;
	s5 =	sld [smem:$0x3FAD]  }
0x2b: {  	s6 =	sld [smem:$0x3FAE]  }
0x2c: {  	s7 =	sld [smem:$0x3FAF]  }
0x2d: {  	s3 =	simm.s32 $0x108;
	s8 =	sld [smem:$0x3FB0]  }
0x2e: {  	s3 =	simm.s32 @!p0 $0x1082;
	s9 =	sld [smem:$0x3FB1]  }
0x2f: {  	lr =	sadd.s32 s0, s3;
	s0 =	sld [smem:$0x3FA8]  }
0x30: {  	s3 =	sld [smem:$0x3FAB]  }
0x31: {  	[smem:$0x3FB4] =	sst s10  }
0x32: {  	s10 =	sld [smem:$0x3FB2];
	_ =	sdelay $0x3  }
0x33: {  	p0 =	seq.s32 s10, $0x1;
	s10 =	sld [smem:$0x3FB4];
	_ =	sdelay $0x3  }
0x34: {  	[smem:$0x3FB4] =	sst s10  }
0x35: {  	s10 =	sld [smem:$0x3FB3];
	_ =	sdelay $0x3  }
0x36: {  	p1 =	seq.s32 s10, $0x1;
	s10 =	sld [smem:$0x3FB4];
	_ =	sdelay $0x3  }
0x37: {  	[smem:$0x3FB4] =	sst s10  }
0x38: {  	s10 =	sld [smem:$0x3FB5]  }
0x39: {  	_ = 	snop;
	(pc) =	sbr.ind lr, $3  }
0x3a: {  	_ = 	snop  }
0x3b: {  	_ = 	snop  }
0x3c: {  	p2 =	seq.s32 s10, $0x1;
	s10 =	sld [smem:$0x3FB4]  }
0x3d: {  	_ =	shalt  }
0x3e: {  	_ =	shalt  }
0x3f: {  	_ =	shalt  }
0x40: {  	_ =	shalt  }
0x41: {  	_ =	shalt  }
0x42: {  	_ =	shalt  }
0x43: {  	_ =	shalt  }
0x44: {  	_ =	shalt  }
0x45: {  	_ =	shalt  }
0x46: {  	_ =	shalt  }
0x47: {  	_ =	shalt  }
0x48: {  	_ =	shalt  }
0x49: {  	_ =	shalt  }
0x4a: {  	_ =	shalt  }
0x4b: {  	_ =	shalt  }
0x4c: {  	_ =	shalt  }
0x4d: {  	_ =	shalt  }
0x4e: {  	_ =	shalt  }
0x4f: {  	_ =	shalt  }
0x50: {  	_ =	shalt  }
0x51: {  	_ =	shalt  }
0x52: {  	_ =	shalt  }
0x53: {  	_ =	shalt  }
0x54: {  	_ =	shalt  }
0x55: {  	_ =	shalt  }
0x56: {  	_ =	shalt  }
0x57: {  	_ =	shalt  }
0x58: {  	_ =	shalt  }
0x59: {  	_ =	shalt  }
0x5a: {  	_ =	shalt  }
0x5b: {  	_ =	shalt  }
0x5c: {  	_ =	shalt  }
0x5d: {  	_ =	shalt  }
0x5e: {  	_ =	shalt  }
0x5f: {  	_ =	shalt  }
0x60: {  	_ =	shalt  }
0x61: {  	_ =	shalt  }
0x62: {  	_ =	shalt  }
0x63: {  	_ =	shalt  }
0x64: {  	_ =	shalt  }
0x65: {  	_ =	shalt  }
0x66: {  	_ =	shalt  }
0x67: {  	_ =	shalt  }
0x68: {  	_ =	shalt  }
0x69: {  	_ =	shalt  }
0x6a: {  	_ =	shalt  }
0x6b: {  	_ =	shalt  }
0x6c: {  	_ =	shalt  }
0x6d: {  	_ =	shalt  }
0x6e: {  	_ =	shalt  }
0x6f: {  	_ =	shalt  }
0x70: {  	_ =	shalt  }
0x71: {  	_ =	shalt  }
0x72: {  	_ =	shalt  }
0x73: {  	_ =	shalt  }
0x74: {  	_ =	shalt  }
0x75: {  	_ =	shalt  }
0x76: {  	_ =	shalt  }
0x77: {  	_ =	shalt  }
0x78: {  	_ =	shalt  }
0x79: {  	_ =	shalt  }
0x7a: {  	_ =	shalt  }
0x7b: {  	_ =	shalt  }
0x7c: {  	_ =	shalt  }
0x7d: {  	_ =	shalt  }
0x7e: {  	_ =	shalt  }
0x7f: {  	_ =	shalt  }
0x80: {  	_ =	shalt  }
0x81: {  	_ =	shalt  }
0x82: {  	_ =	shalt  }
0x83: {  	_ =	shalt  }
0x84: {  	_ =	shalt  }
0x85: {  	_ =	shalt  }
0x86: {  	_ =	shalt  }
0x87: {  	_ =	shalt  }
.Lfunc_end0:
.L_simem_size_0:
called_computation_lowered:
.L_overlay_start_0:
0x88: {  	s2 =	sld [smem:$0x3FD9]  }
0x89: {  	s3 =	sld [smem:$0x3FFE];
	_ =	sdelay $0x1  }
0x8a: {  	s1 =	srdreg.scid  }
0x8b: {  	s0 =	sand.u32 $0x1, s1  }
0x8c: {  	s16 =	sshll.u32 s0, $0xA;
	s2 =	sadd.s32 s3, s2  }
0x8d: {  	s2 =	sadd.s32 s2, s16  }
0x8e: {  	[smem:$0x3FC0] =	sst s2  }
0x8f: {  	_ = 	snop  }
0x90: {  	(tm) =	ssettm $0x1  }
0x91: {  	s17 =	sld [smem:$0x3FFB];
	_ =	sdelay $0x3  }
0x92: {  	_ =	strace s17  }
0x93: {  	s2 =	sld [smem:$0x3FFC];
	_ =	sdelay $0x3  }
0x94: {  	_ =	strace s2  }
0x95: {  	s2 =	sld [smem:$0x3FFD];
	_ =	sdelay $0x3  }
0x96: {  	_ =	strace s2  }
0x97: {  	_ =	strace $0x8FFFFFFF  }
0x98: {  	s18 =	sld [smem:$0x3FDB];
	_ =	sdelay $0x1  }
0x99: {  	s19 =	simm.s32 $_scs_section_size  }
0x9a: {  	s4 =	simm.s32 $_size__tile_overlayer_lowered;
	s5 =	simm.s32 $_tile_overlayer_lowered  }
0x9b: {  	s22 =	simm.s32 $0x1BFF;
	s21 =	sshll.u32 s5, $0x1;
	s2 =	sadd.s32 s19, s18  }
0x9c: {  	s6 =	simm.s32 $0x0;
	s20 =	sshll.u32 s4, $0x1;
	s4 =	sadd.s32 s21, s2  }
0x9d: {  	[timem:s6], [sflag:s22] =	dma.local [hbm:s4], s20  }
0x9e: {  	_ =	swait.ge [sflag:s22], s20  }
0x9f: {  	s3 =	ssub.s32 $0x0, s20;
	[sflag:s22] =	ssyncset.done $0x0  }
0xa0: {  	[sflag:s22] =	ssyncadd.s32 s3;
	_ =	sdelay $0x1  }
0xa1: {  	s23 =	simm.s32 $0x1B8B  }
0xa2: {  	_ =	swait.ge [sflag:s23], $0x1  }
0xa3: {  	[sflag:s23] =	ssyncset.done $0x0  }
0xa4: {  	s25 =	simm.s32 $0x1B8E;
	s24 =	sld [smem:$0x3FFE];
	[sflag:s23] =	ssyncadd.s32 $0xFFFFFFFF  }
0xa5: {  	s26 =	simm.s32 $execute0_lowered;
	[smem:$0x3FD2] =	sst s25  }
0xa6: {  	s4 =	sshll.u32 s26, $0x1;
	_ =	strace $0x80000046;
	[dreg:$0x1] =	wrdreg $0xFFFFFFFF  }
0xa7: {  	s28 =	simm.s32 $_size_execute0_lowered;
	s2 =	sadd.s32 s2, s4;
	[dreg:$0x0] =	wrdreg $0x0  }
0xa8: {  	s4 =	sshll.u32 s28, $0x1;
	[dreg:$0x2] =	wrdreg s2  }
0xa9: {  	[dreg:$0x3] =	wrdreg s4  }
0xaa: {  	[dreg:$0x4] =	wrdreg $0xC0  }
0xab: {  	_ =	task [dreg:s6], $0x5FFFF  }
0xac: {  	[dreg:$0x1] =	wrdreg $0xFFFFFFFF  }
0xad: {  	[dreg:$0x0] =	wrdreg $0x60  }
0xae: {  	[dreg:$0x2] =	wrdreg s24  }
0xaf: {  	[dreg:$0x3] =	wrdreg $0x92000  }
0xb0: {  	[dreg:$0x4] =	wrdreg $0x9  }
0xb1: {  	_ =	task.clear_ibuf [dreg:s6], $0x5FFFF;
	_ =	strace $0x90000046  }
0xb2: {  	s29 =	simm.s32 $0x9;
	_ =	strace $0x80000048  }
0xb3: {  	_ =	swait.ge [sflag:s29], $0x1  }
0xb4: {  	[sflag:s29] =	ssyncadd.s32 $0xFFFFFFFF  }
0xb5: {  	_ =	strace $0x90000048  }
0xb6: {  	_ =	sfence  }
0xb7: {  	s30 =	sld [smem:$0x0];
	_ =	sdelay $0x2  }
0xb8: {  	s31 =	sshll.u32 s1, $0xD;
	s1 =	sshrl.u32 s1, $0x2  }
0xb9: {  	s3 =	sand.u32 $0x4000, s31;
	s1 =	sadd.s32 s1, s30  }
0xba: {  	s0 =	sor.u32 s3, s0;
	s1 =	sshll.u32 s1, $0x11  }
0xbb: {  	s0 =	sor.u32 s1, s0  }
0xbc: {  	s0 =	sadd.s32 $0x8F2B, s0  }
0xbd: {  	[sflag:s0] =	ssyncadd.remote.s32 $0x1  }
0xbe: {  	_ =	sfence.sel $0xFFFF  }
0xbf: {  	[dreg:$0x0] =	wrdreg $0xFFFFFFFF;
	(pc) =	sbr.abs _section_cstart, $3  }
0xc0: {  	[dreg:$0x1] =	wrdreg $0xFFFFFFFF  }
0xc1: {  	_ =	task.clear_ibuf [dreg:s6], $0x2FFFF;
	_ =	strace $0x9FFFFFFF  }
0xc2: {  	(tm) =	ssettm $0x7FFFFFFF  }
0xc3: {  	_ =	shalt  }
tec
execute0_lowered:
.L_overlay_start_1:
0x0: {  	(tag) =	ssettag $0x1  }
0x1: {  	s0 =	rddreg [dreg:$0x0]  }
0x2: {  	s2 =	rddreg [dreg:$0x1];
	s3 =	simm.s32 $0x0  }
0x3: {  	s1 =	srdreg.scid;
	s11 =	stileid.u32;
	s28 =	simm.s32 $0x4A00  }
0x4: {  	s29 =	simm.s32 $0x1;
	s30 =	simm.s32 $0x3;
	s31 =	simm.s32 $0x2  }
0x5: {  	[smem:$0x7FF] =	sst s3;
	s1 =	sand.u32 $0x1, s1;
	s5 =	smul.u32 $0x2D00, s11  }
0x6: {  	s4 =	sadd.s32 $0x1600, s0;
	s7 =	sadd.s32 $0x37600, s0;
	s9 =	smul.u32 $0x28, s11  }
0x7: {  	s8 =	sadd.s32 $0x2D600, s0;
	s10 =	smul.u32 $0x5A000, s11;
	_ =	strace $0x80000047  }
0x8: {  	s6 =	smul.u32 $0x2D000, s1;
	s15 =	ssub.s32 $0x2, s1;
	p0 =	seq.s32 s1, $0x0  }
0x9: {  	s1 =	smul.u32 $0x78, s11;
	s16 =	sshrl.u32 s15, $0x1;
	s17 =	sshrl.u32 s10, $0x2  }
0xa: {  	s9 =	sadd.s32 $0x780, s9;
	s5 =	sadd.s32 s5, s6;
	s6 =	sadd.s32 s17, s2  }
0xb: {  	s14 =	ssub.s32 s15, s16;
	s9 =	smov.u32 @p0 s1;
	s18 =	sadd.s32 $0x4800, s6  }
0xc: {  	s0 =	sadd.s32 s5, s0;
	s19 =	sadd.s32 $0x9000, s6;
	[dreg:$0x3] =	wrdreg s18  }
0xd: {  	s5 =	simm.s32 $0x78;
	s21 =	sadd.s32 $0xD800, s6;
	[dreg:$0x4] =	wrdreg s19  }
0xe: {  	s20 =	sshll.u32 s9, $0x4;
	s22 =	sadd.s32 $0x12000, s6;
	[dreg:$0x5] =	wrdreg s21  }
0xf: {  	s24 =	smax.u32 s14, $0x1;
	s5 =	simm.s32 @!p0 $0x28;
	[dreg:$0x6] =	wrdreg s22  }
0x10: {  	s11 =	sadd.s32 s7, s20;
	s12 =	sadd.s32 s8, s20;
	s0 =	sadd.s32 $0x41600, s0  }
0x11: {  	[dreg:$0x8] =	wrdreg s24;
	s25 =	sor.u32 $0x10, s20;
	s1 =	sor.u32 $0x20, s20  }
0x12: {  	s22 =	simm.s32 $0x200;
	s24 =	simm.s32 $0x80;
	s23 =	sshrl.u32 s5, $0x1  }
0x13: {  	[dreg:$0x7] =	wrdreg s0;
	s26 =	sadd.s32 s7, s25;
	s0 =	sadd.s32 s8, s25  }
0x14: {  	s17 =	sadd.s32 s7, s1;
	s18 =	sadd.s32 s8, s1;
	s9 =	sadd.s32 $0x40, s12  }
0x15: {  	s21 =	sadd.s32 $0x40, s11;
	s25 =	simm.s32 $0x100;
	[dreg:$0x9] =	wrdreg s26  }
0x16: {  	s1 =	simm.s32 $0x0;
	[dreg:$0xa] =	wrdreg s0;
	s19 =	sadd.s32 $0xFFFFFFFE, s23  }
0x17: {  	v0 =	vimm.f32 $0.0e+00;
	s23 =	simm.s32 $0x5;
	s26 =	simm.s32 $0x180;
	s0 =	simm.s32 $0x4  }
.LBB2_1:
0x18: {  	s7 =	simm.s32 $0x0;
	s8 =	simm.s32 $0x240  }
.LBB2_2:
0x19: {  	p0 =	sne.s32 s8, $0x11DC0;
	[tilespmem:s7+$0x280] =	vst v0  }
0x1a: {  	[tilespmem:s7+$0x200] =	vst v0  }
0x1b: {  	[tilespmem:s7+$0x210] =	vst v0  }
0x1c: {  	[tilespmem:s7+$0x220] =	vst v0  }
.Ltmp0:
0x1d: {  	[tilespmem:s7+$0x230] =	vst v0;
	(pc) =	sbr.rel @p0 .LBB2_2-.Ltmp0, $4  }
0x1e: {  	[tilespmem:s7+$0x240] =	vst v0  }
0x1f: {  	[tilespmem:s7+$0x250] =	vst v0  }
0x20: {  	[tilespmem:s7+$0x260] =	vst v0  }
0x21: {  	[tilespmem:s7+$0x270] =	vst v0;
	s7 =	sshra.s32 s8, $0x2;
	s8 =	sadd.s32 $0x240, s8  }
0x22: {  	[tilespmem:s7+$0x280] =	vst v0  }
0x23: {  	[tilespmem:s7+$0x200] =	vst v0  }
0x24: {  	[tilespmem:s7+$0x210] =	vst v0  }
0x25: {  	[tilespmem:s7+$0x220] =	vst v0  }
0x26: {  	[tilespmem:s7+$0x230] =	vst v0  }
0x27: {  	[tilespmem:s7+$0x240] =	vst v0  }
0x28: {  	[tilespmem:s7+$0x250] =	vst v0  }
0x29: {  	[tilespmem:s7+$0x260] =	vst v0  }
0x2a: {  	[tilespmem:s7+$0x270] =	vst v0  }
0x2b: {  	[spmem:s6] =	stream.linear.scatter [tilespmem:s22], [sflag:$0x5], $0x4800, $0x38;
	[tilespmem:$0x1FA00] =	vst v63  }
0x2c: {  	_ =	swait.ge [sflag:s23], $0x4800  }
0x2d: {  	[sflag:s23] =	ssyncset.done $0x0  }
0x2e: {  	s20 =	rddreg [dreg:$0x3];
	[sflag:s23] =	ssyncadd.s32 $0xFFFFB800  }
0x2f: {  	[spmem:s20] =	stream.linear.scatter [tilespmem:s22], [sflag:$0x5], $0x4800, $0x38;
	[tilespmem:$0x1FA00] =	vst v63  }
0x30: {  	_ =	swait.ge [sflag:s23], $0x4800  }
0x31: {  	[sflag:s23] =	ssyncset.done $0x0  }
0x32: {  	s8 =	rddreg [dreg:$0x4];
	[sflag:s23] =	ssyncadd.s32 $0xFFFFB800  }
0x33: {  	[spmem:s8] =	stream.linear.scatter [tilespmem:s22], [sflag:$0x5], $0x4800, $0x38;
	[tilespmem:$0x1FA00] =	vst v63  }
0x34: {  	_ =	swait.ge [sflag:s23], $0x4800  }
0x35: {  	[sflag:s23] =	ssyncset.done $0x0  }
0x36: {  	s10 =	rddreg [dreg:$0x5];
	[sflag:s23] =	ssyncadd.s32 $0xFFFFB800  }
0x37: {  	[spmem:s10] =	stream.linear.scatter [tilespmem:s22], [sflag:$0x5], $0x4800, $0x38;
	[tilespmem:$0x1FA00] =	vst v63  }
0x38: {  	_ =	swait.ge [sflag:s23], $0x4800  }
0x39: {  	[sflag:s23] =	ssyncset.done $0x0  }
0x3a: {  	s13 =	rddreg [dreg:$0x6];
	[sflag:s23] =	ssyncadd.s32 $0xFFFFB800  }
0x3b: {  	[spmem:s13] =	stream.linear.scatter [tilespmem:s22], [sflag:$0x5], $0x4800, $0x38;
	[tilespmem:$0x1FA00] =	vst v63  }
0x3c: {  	_ =	swait.ge [sflag:s23], $0x4800  }
0x3d: {  	[sflag:s23] =	ssyncset.done $0x0  }
0x3e: {  	[sflag:s23] =	ssyncadd.s32 $0xFFFFB800  }
0x3f: {  	[bflag:$0x0] =	sbarrier.arrive $0xFFFF  }
0x40: {  	[tilespmem:s3], [sflag:$0x5] =	stream.linear.gather [hbm4b:s11+s3], $0x80, $0x38;
	[tilespmem:$0x1FA00] =	vst v63  }
0x41: {  	_ =	swait.ge [sflag:s23], $0x80  }
0x42: {  	[sflag:s23] =	ssyncset.done $0x0  }
0x43: {  	[sflag:s23] =	ssyncadd.s32 $0xFFFFFF80  }
0x44: {  	[tilespmem:s24], [sflag:$0x5] =	stream.linear.gather [hbm4b:s12+s3], $0x80, $0x38;
	[tilespmem:$0x1FA00] =	vst v63  }
0x45: {  	_ =	swait.ge [sflag:s23], $0x80  }
0x46: {  	[sflag:s23] =	ssyncset.done $0x0  }
0x47: {  	[sflag:s23] =	ssyncadd.s32 $0xFFFFFF80  }
0x48: {  	[tilespmem:s22], [sflag:$0x1] =	stream.indirect.gather [hbm4b:s4+s24], $0x90, s3, s24, $0xb8;
	[tilespmem:$0x1FA00] =	vst v63  }
0x49: {  	s14 =	rddreg [dreg:$0x9]  }
0x4a: {  	[tilespmem:s25], [sflag:$0x5] =	stream.linear.gather [hbm4b:s14+s3], $0x80, $0x38;
	[tilespmem:$0x1FA00] =	vst v63  }
0x4b: {  	_ =	swait.ge [sflag:s23], $0x80  }
0x4c: {  	[sflag:s23] =	ssyncset.done $0x0  }
0x4d: {  	s15 =	rddreg [dreg:$0xa];
	[sflag:s23] =	ssyncadd.s32 $0xFFFFFF80  }
0x4e: {  	[tilespmem:s26], [sflag:$0x5] =	stream.linear.gather [hbm4b:s15+s3], $0x80, $0x38;
	[tilespmem:$0x1FA00] =	vst v63  }
0x4f: {  	_ =	swait.ge [sflag:s23], $0x80  }
0x50: {  	[sflag:s23] =	ssyncset.done $0x0  }
0x51: {  	[sflag:s23] =	ssyncadd.s32 $0xFFFFFF80  }
0x52: {  	[tilespmem:s28], [sflag:$0x2] =	stream.indirect.gather [hbm4b:s4+s24], $0x90, s25, s24, $0xb8;
	[tilespmem:$0x1FA00] =	vst v63  }
0x53: {  	_ =	swait.ge [sflag:s29], $0x4800  }
0x54: {  	[sflag:s29] =	ssyncset.done $0x0  }
0x55: {  	[sflag:s29] =	ssyncadd.s32 $0xFFFFB800  }
0x56: {  	[spmem:s2] =	stream.indirect.scatter.add.f32 [tilespmem:s22], [sflag:$0x3], $0x90, s24, s24, $0xb8;
	[tilespmem:$0x1FA00] =	vst v63  }
0x57: {  	_ =	swait.ge [sflag:s30], $0x4800  }
0x58: {  	[sflag:s30] =	ssyncset.done $0x0  }
0x59: {  	[sflag:s30] =	ssyncadd.s32 $0xFFFFB800  }
0x5a: {  	[tilespmem:s3], [sflag:$0x5] =	stream.linear.gather [hbm4b:s17+s3], $0x80, $0x38;
	[tilespmem:$0x1FA00] =	vst v63  }
0x5b: {  	_ =	swait.ge [sflag:s23], $0x80  }
0x5c: {  	[sflag:s23] =	ssyncset.done $0x0  }
0x5d: {  	[sflag:s23] =	ssyncadd.s32 $0xFFFFFF80  }
0x5e: {  	[tilespmem:s24], [sflag:$0x5] =	stream.linear.gather [hbm4b:s18+s3], $0x80, $0x38;
	[tilespmem:$0x1FA00] =	vst v63  }
0x5f: {  	_ =	swait.ge [sflag:s23], $0x80  }
0x60: {  	[sflag:s23] =	ssyncset.done $0x0  }
0x61: {  	[sflag:s23] =	ssyncadd.s32 $0xFFFFFF80  }
0x62: {  	[tilespmem:s22], [sflag:$0x1] =	stream.indirect.gather [hbm4b:s4+s24], $0x90, s3, s24, $0xb8;
	[tilespmem:$0x1FA00] =	vst v63  }
0x63: {  	_ =	swait.ge [sflag:s31], $0x4800  }
0x64: {  	[sflag:s31] =	ssyncset.done $0x0  }
0x65: {  	[sflag:s31] =	ssyncadd.s32 $0xFFFFB800  }
0x66: {  	[spmem:s2] =	stream.indirect.scatter.add.f32 [tilespmem:s28], [sflag:$0x4], $0x90, s26, s24, $0xb8;
	[tilespmem:$0x1FA00] =	vst v63  }
0x67: {  	_ =	swait.ge [sflag:s0], $0x4800  }
0x68: {  	[sflag:s0] =	ssyncset.done $0x0  }
0x69: {  	s16 =	sadd.s32 $0xFFFFFFF0, s21;
	[sflag:s0] =	ssyncadd.s32 $0xFFFFB800  }
0x6a: {  	[tilespmem:s25], [sflag:$0x5] =	stream.linear.gather [hbm4b:s16+s3], $0x80, $0x38;
	[tilespmem:$0x1FA00] =	vst v63  }
0x6b: {  	_ =	swait.ge [sflag:s23], $0x80  }
0x6c: {  	[sflag:s23] =	ssyncset.done $0x0  }
0x6d: {  	s20 =	sadd.s32 $0xFFFFFFF0, s9;
	[sflag:s23] =	ssyncadd.s32 $0xFFFFFF80  }
0x6e: {  	[tilespmem:s26], [sflag:$0x5] =	stream.linear.gather [hbm4b:s20+s3], $0x80, $0x38;
	[tilespmem:$0x1FA00] =	vst v63  }
0x6f: {  	_ =	swait.ge [sflag:s23], $0x80  }
0x70: {  	[sflag:s23] =	ssyncset.done $0x0  }
0x71: {  	[sflag:s23] =	ssyncadd.s32 $0xFFFFFF80  }
0x72: {  	[tilespmem:s28], [sflag:$0x2] =	stream.indirect.gather [hbm4b:s4+s24], $0x90, s25, s24, $0xb8;
	[tilespmem:$0x1FA00] =	vst v63  }
0x73: {  	_ =	swait.ge [sflag:s29], $0x4800  }
0x74: {  	p0 =	sle.u32 s5, $0x4;
	[sflag:s29] =	ssyncset.done $0x0  }
0x75: {  	s7 =	simm.s32 @!p0 $0x3;
	[sflag:s29] =	ssyncadd.s32 $0xFFFFB800  }
0x76: {  	[spmem:s2] =	stream.indirect.scatter.add.f32 [tilespmem:s22], [sflag:$0x3], $0x90, s24, s24, $0xb8;
	[tilespmem:$0x1FA00] =	vst v63  }
0x77: {  	_ =	swait.ge @!p0 [sflag:s7], $0x4800  }
0x78: {  	[sflag:s7] =	ssyncset.done @!p0 $0x0  }
0x79: {  	s8 =	simm.s32 @!p0 $0x0;
	[sflag:s7] =	ssyncadd.s32 @!p0 $0xFFFFB800;
	s7 =	simm.s32 @!p0 $0x5  }
0x7a: {  	[tilespmem:s8], [sflag:$0x5] =	stream.linear.gather @!p0 [hbm4b:s21+s8], $0x80, $0x38;
	[tilespmem:$0x1FA00] =	vst v63  }
0x7b: {  	_ =	swait.ge @!p0 [sflag:s7], $0x80  }
0x7c: {  	[sflag:s7] =	ssyncset.done @!p0 $0x0  }
0x7d: {  	s20 =	simm.s32 @!p0 $0x80;
	[sflag:s7] =	ssyncadd.s32 @!p0 $0xFFFFFF80  }
0x7e: {  	[tilespmem:s20], [sflag:$0x5] =	stream.linear.gather @!p0 [hbm4b:s9+s8], $0x80, $0x38;
	[tilespmem:$0x1FA00] =	vst v63  }
0x7f: {  	_ =	swait.ge @!p0 [sflag:s7], $0x80  }
0x80: {  	[sflag:s7] =	ssyncset.done @!p0 $0x0  }
0x81: {  	s10 =	sadd.s32 $0xFFFFFFFF, s19;
	[sflag:s7] =	ssyncadd.s32 @!p0 $0xFFFFFF80;
	s7 =	simm.s32 @!p0 $0x200  }
0x82: {  	[tilespmem:s7], [sflag:$0x1] =	stream.indirect.gather @!p0 [hbm4b:s4+s20], $0x90, s8, s20, $0xb8;
	[tilespmem:$0x1FA00] =	vst v63  }
0x83: {  	p0 =	sne.s32 s10, $0x0  }
.Ltmp1:
0x84: {  	_ = 	snop;
	(pc) =	sbr.rel @!p0 .LBB2_5-.Ltmp1, $3  }
0x85: {  	_ =	sdelay $0x1  }
0x86: {  	s7 =	sadd.s32 $0x20, s21;
	_ =	swait.ge [sflag:s31], $0x4800  }
0x87: {  	s8 =	simm.s32 $0x6;
	s20 =	smov.u32 s9;
	[sflag:s31] =	ssyncset.done $0x0  }
.LBB2_4:
0x88: {  	s10 =	sadd.s32 $0xFFFFFFFF, s10;
	[sflag:s31] =	ssyncadd.s32 $0xFFFFB800;
	s20 =	sadd.s32 $0x20, s20  }
0x89: {  	[spmem:s2] =	stream.indirect.scatter.add.f32 [tilespmem:s28], [sflag:$0x4], $0x90, s26, s24, $0xb8;
	[tilespmem:$0x1FA00] =	vst v63  }
0x8a: {  	p0 =	sne.s32 s10, $0x0;
	_ =	swait.ge [sflag:s0], $0x4800  }
0x8b: {  	s13 =	sadd.s32 $0xFFFFFFF0, s7;
	[sflag:s0] =	ssyncset.done $0x0  }
0x8c: {  	[sflag:s0] =	ssyncadd.s32 $0xFFFFB800  }
0x8d: {  	[tilespmem:s25], [sflag:$0x5] =	stream.linear.gather [hbm4b:s13+s3], $0x80, $0x38;
	[tilespmem:$0x1FA00] =	vst v63  }
0x8e: {  	_ =	swait.ge [sflag:s23], $0x80  }
0x8f: {  	s13 =	sadd.s32 $0xFFFFFFF0, s20;
	[sflag:s23] =	ssyncset.done $0x0  }
0x90: {  	[sflag:s23] =	ssyncadd.s32 $0xFFFFFF80  }
0x91: {  	[tilespmem:s26], [sflag:$0x5] =	stream.linear.gather [hbm4b:s13+s3], $0x80, $0x38;
	[tilespmem:$0x1FA00] =	vst v63  }
0x92: {  	_ =	swait.ge [sflag:s23], $0x80  }
0x93: {  	[sflag:s23] =	ssyncset.done $0x0  }
0x94: {  	[sflag:s23] =	ssyncadd.s32 $0xFFFFFF80  }
0x95: {  	[tilespmem:s28], [sflag:$0x2] =	stream.indirect.gather [hbm4b:s4+s24], $0x90, s25, s24, $0xb8;
	[tilespmem:$0x1FA00] =	vst v63  }
0x96: {  	_ =	swait.ge [sflag:s29], $0x4800  }
0x97: {  	p1 =	sge.u32 s8, s5;
	[sflag:s29] =	ssyncset.done $0x0  }
0x98: {  	s13 =	simm.s32 @!p1 $0x3;
	[sflag:s29] =	ssyncadd.s32 $0xFFFFB800  }
0x99: {  	[spmem:s2] =	stream.indirect.scatter.add.f32 [tilespmem:s22], [sflag:$0x3], $0x90, s24, s24, $0xb8;
	[tilespmem:$0x1FA00] =	vst v63  }
0x9a: {  	_ =	swait.ge @!p1 [sflag:s13], $0x4800  }
0x9b: {  	s14 =	simm.s32 @!p1 $0x0;
	[sflag:s13] =	ssyncset.done @!p1 $0x0  }
0x9c: {  	[sflag:s13] =	ssyncadd.s32 @!p1 $0xFFFFB800;
	s13 =	simm.s32 @!p1 $0x5  }
0x9d: {  	[tilespmem:s14], [sflag:$0x5] =	stream.linear.gather @!p1 [hbm4b:s7+s14], $0x80, $0x38;
	[tilespmem:$0x1FA00] =	vst v63  }
0x9e: {  	_ =	swait.ge @!p1 [sflag:s13], $0x80  }
0x9f: {  	s15 =	simm.s32 @!p1 $0x80;
	[sflag:s13] =	ssyncset.done @!p1 $0x0  }
0xa0: {  	[sflag:s13] =	ssyncadd.s32 @!p1 $0xFFFFFF80  }
0xa1: {  	[tilespmem:s15], [sflag:$0x5] =	stream.linear.gather @!p1 [hbm4b:s20+s14], $0x80, $0x38;
	[tilespmem:$0x1FA00] =	vst v63  }
0xa2: {  	_ =	swait.ge @!p1 [sflag:s13], $0x80  }
.Ltmp2:
0xa3: {  	s16 =	simm.s32 @!p1 $0x200;
	[sflag:s13] =	ssyncset.done @!p1 $0x0;
	(pc) =	sbr.rel @p0 .LBB2_4-.Ltmp2, $4  }
0xa4: {  	[sflag:s13] =	ssyncadd.s32 @!p1 $0xFFFFFF80  }
0xa5: {  	[tilespmem:s16], [sflag:$0x1] =	stream.indirect.gather @!p1 [hbm4b:s4+s15], $0x90, s14, s15, $0xb8;
	[tilespmem:$0x1FA00] =	vst v63  }
0xa6: {  	_ =	swait.ge [sflag:s31], $0x4800  }
0xa7: {  	s8 =	sadd.s32 $0x2, s8;
	s7 =	sadd.s32 $0x20, s7;
	[sflag:s31] =	ssyncset.done $0x0  }
.LBB2_5:
0xa8: {  	[sflag:s31] =	ssyncadd.s32 $0xFFFFB800  }
0xa9: {  	[spmem:s2] =	stream.indirect.scatter.add.f32 [tilespmem:s28], [sflag:$0x4], $0x90, s26, s24, $0xb8;
	[tilespmem:$0x1FA00] =	vst v63  }
0xaa: {  	_ =	swait.ge [sflag:s0], $0x4800  }
0xab: {  	[sflag:s0] =	ssyncset.done $0x0  }
0xac: {  	s10 =	sadd.s32 $0xFFFFFFF0, s7;
	[sflag:s0] =	ssyncadd.s32 $0xFFFFB800  }
0xad: {  	[tilespmem:s25], [sflag:$0x5] =	stream.linear.gather [hbm4b:s10+s3], $0x80, $0x38;
	[tilespmem:$0x1FA00] =	vst v63  }
0xae: {  	_ =	swait.ge [sflag:s23], $0x80  }
0xaf: {  	s10 =	sadd.s32 $0x20, s20;
	[sflag:s23] =	ssyncset.done $0x0  }
0xb0: {  	s13 =	sadd.s32 $0xFFFFFFF0, s10;
	[sflag:s23] =	ssyncadd.s32 $0xFFFFFF80  }
0xb1: {  	[tilespmem:s26], [sflag:$0x5] =	stream.linear.gather [hbm4b:s13+s3], $0x80, $0x38;
	[tilespmem:$0x1FA00] =	vst v63  }
0xb2: {  	_ =	swait.ge [sflag:s23], $0x80  }
0xb3: {  	[sflag:s23] =	ssyncset.done $0x0  }
0xb4: {  	[sflag:s23] =	ssyncadd.s32 $0xFFFFFF80  }
0xb5: {  	[tilespmem:s28], [sflag:$0x2] =	stream.indirect.gather [hbm4b:s4+s24], $0x90, s25, s24, $0xb8;
	[tilespmem:$0x1FA00] =	vst v63  }
0xb6: {  	_ =	swait.ge [sflag:s29], $0x4800  }
0xb7: {  	p0 =	sge.u32 s8, s5;
	[sflag:s29] =	ssyncset.done $0x0  }
0xb8: {  	s8 =	simm.s32 @!p0 $0x3;
	[sflag:s29] =	ssyncadd.s32 $0xFFFFB800  }
0xb9: {  	[spmem:s2] =	stream.indirect.scatter.add.f32 [tilespmem:s22], [sflag:$0x3], $0x90, s24, s24, $0xb8;
	[tilespmem:$0x1FA00] =	vst v63  }
0xba: {  	_ =	swait.ge @!p0 [sflag:s8], $0x4800  }
0xbb: {  	[sflag:s8] =	ssyncset.done @!p0 $0x0  }
0xbc: {  	[sflag:s8] =	ssyncadd.s32 @!p0 $0xFFFFB800;
	s8 =	simm.s32 @!p0 $0x0  }
0xbd: {  	[tilespmem:s8], [sflag:$0x5] =	stream.linear.gather @!p0 [hbm4b:s7+s8], $0x80, $0x38;
	[tilespmem:$0x1FA00] =	vst v63  }
0xbe: {  	s7 =	simm.s32 @!p0 $0x5  }
0xbf: {  	_ =	swait.ge @!p0 [sflag:s7], $0x80  }
0xc0: {  	[sflag:s7] =	ssyncset.done @!p0 $0x0  }
0xc1: {  	s13 =	simm.s32 @!p0 $0x80;
	[sflag:s7] =	ssyncadd.s32 @!p0 $0xFFFFFF80  }
0xc2: {  	[tilespmem:s13], [sflag:$0x5] =	stream.linear.gather @!p0 [hbm4b:s10+s8], $0x80, $0x38;
	[tilespmem:$0x1FA00] =	vst v63  }
0xc3: {  	_ =	swait.ge @!p0 [sflag:s7], $0x80  }
0xc4: {  	[sflag:s7] =	ssyncset.done @!p0 $0x0  }
0xc5: {  	[sflag:s7] =	ssyncadd.s32 @!p0 $0xFFFFFF80;
	s7 =	simm.s32 @!p0 $0x200  }
0xc6: {  	[tilespmem:s7], [sflag:$0x1] =	stream.indirect.gather @!p0 [hbm4b:s4+s13], $0x90, s8, s13, $0xb8;
	[tilespmem:$0x1FA00] =	vst v63  }
0xc7: {  	_ =	swait.ge [sflag:s31], $0x4800  }
0xc8: {  	[sflag:s31] =	ssyncset.done $0x0  }
0xc9: {  	[sflag:s31] =	ssyncadd.s32 $0xFFFFB800  }
0xca: {  	[spmem:s2] =	stream.indirect.scatter.add.f32 [tilespmem:s28], [sflag:$0x4], $0x90, s26, s24, $0xb8;
	[tilespmem:$0x1FA00] =	vst v63  }
0xcb: {  	_ =	swait.ge [sflag:s30], $0x4800  }
0xcc: {  	[sflag:s30] =	ssyncset.done $0x0  }
0xcd: {  	[sflag:s30] =	ssyncadd.s32 $0xFFFFB800  }
0xce: {  	_ =	swait.ge [sflag:s0], $0x4800  }
0xcf: {  	[sflag:s0] =	ssyncset.done $0x0  }
0xd0: {  	s14 =	stileid.u32;
	[sflag:s0] =	ssyncadd.s32 $0xFFFFB800  }
0xd1: {  	s7 =	sshll.u32 s14, $0x6;
	[bflag:$0x0] =	sbarrier.arrive $0xFFFF  }
0xd2: {  	s15 =	sshrl.u32 s6, $0x3;
	s7 =	sor.u32 $0x1C05, s7;
	s16 =	rddreg [dreg:$0x7]  }
0xd3: {  	[hbm:s16], [sflag:s7] =	dma.local [spmem:s15], $0x2D00  }
0xd4: {  	_ =	swait.ge [sflag:s23], $0x2D00  }
0xd5: {  	s1 =	sadd.s32 $0x1, s1;
	s20 =	rddreg [dreg:$0x8]  }
0xd6: {  	p0 =	sne.s32 s1, s20  }
.Ltmp3:
0xd7: {  	_ = 	snop;
	(pc) =	sbr.rel @p0 .LBB2_1-.Ltmp3, $3  }
0xd8: {  	_ =	sdelay $0x1  }
0xd9: {  	[sflag:s23] =	ssyncset.done $0x0  }
0xda: {  	[sflag:s23] =	ssyncadd.s32 $0xFFFFD300  }
0xdb: {  	_ =	sfence.sel $0x180000  }
0xdc: {  	[bflag:$0x0] =	sbarrier.arrive $0xFFFF  }
0xdd: {  	_ =	strace $0x90000047  }
0xde: {  	s0 =	stileid.u32;
	[bflag:$0x2] =	sbarrier.arrive $0xFFFF  }
0xdf: {  	p0 =	sne.s32 s0, $0x0;
	s0 =	rddreg [dreg:$0x2]  }
0xe0: {  	s0 =	sadd.s32 @!p0 $0x100000, s0  }
0xe1: {  	[sflag:s0] =	ssyncadd.tile.s32 @!p0 $0x1;
	_ =	shalt  }
.Lfunc_end2:
_tile_overlayer_lowered:
.L_overlay_start_2:
0xe2: {  	(tag) =	ssettag $0x2  }
0xe3: {  	s0 =	rddreg [dreg:$0x0];
	s2 =	stileid.u32  }
0xe4: {  	s1 =	rddreg [dreg:$0x1];
	p0 =	sne.s32 s2, $0x0  }
0xe5: {  	s3 =	rddreg [dreg:$0x2];
	[bflag:$0x3] =	sbarrier.arrive $0xFFFF;
	s2 =	simm.s32 @!p0 $0x1C05  }
0xe6: {  	[timem:s3], [sflag:s2] =	dma.local @!p0 [hbm:s0], s1  }
0xe7: {  	s0 =	simm.s32 @!p0 $0x5  }
0xe8: {  	_ =	swait.ge @!p0 [sflag:s0], s1  }
0xe9: {  	s1 =	ssub.s32 @!p0 $0x0, s1;
	[sflag:s0] =	ssyncset.done @!p0 $0x0  }
0xea: {  	[sflag:s0] =	ssyncadd.s32 @!p0 s1  }
0xeb: {  	[bflag:$0x3] =	sbarrier.arrive $0xFFFF  }
0xec: {  	_ =	shalt  }

</sc_bundles>
